<compile_context>
chip_gen: v7x
topology: tpu7x:2x2x1
jax: 0.10.2.dev20260603
libtpu: 0.0.44.dev20260713+nightly
codegen_flags: <defaults>
</compile_context>

<pallas_src>
import functools

import jax
import jax.numpy as jnp
from jax import lax
from jax.experimental import pallas as pl
from jax.experimental.pallas import tpu as pltpu
from jax.experimental.pallas import tpu_sc as plsc

VOCAB_P1 = 100001
EMB = 128
BATCH = 16384
WINDOW = 5
N_CLASS = 50

NC = 2
NS = 16
NW = NC * NS

B_PER_W = BATCH // NW
CHUNK = 128
NB = B_PER_W // CHUNK
K = 1
NBUF = 6
WSPLIT = 5


def _make_gather(nwin):
  nchunk = nwin * NB
  ngrp = nchunk // K

  def body(idx_hbm, table_hbm, out_hbm, idx_v, *bufs_and_sems):
    wid = lax.axis_index("s") * NC + lax.axis_index("c")
    base = wid * B_PER_W
    pltpu.sync_copy(idx_hbm.at[wid], idx_v)
    rows = bufs_and_sems[:NBUF * K]
    gsems = bufs_and_sems[NBUF * K:NBUF * K + NBUF]
    wsems = bufs_and_sems[NBUF * K + NBUF:]
    bufs = [(rows[g * K:(g + 1) * K], gsems[g], wsems[g]) for g in range(NBUF)]

    def fire_gathers(grp):
      rs, gs, _ = bufs[grp % NBUF]
      return [pltpu.async_copy(table_hbm.at[idx_v.at[grp * K + k]], rs[k], gs)
              for k in range(K)]

    def fire_writes(grp):
      rs, _, ws = bufs[grp % NBUF]
      hs = []
      for k in range(K):
        j = grp * K + k
        w, c = j // NB, j % NB
        hs.append(pltpu.async_copy(
            rs[k], out_hbm.at[w, pl.ds(base + c * CHUNK, CHUNK)], ws))
      return hs

    g_handles = {g: fire_gathers(g) for g in range(min(NBUF - 1, ngrp))}
    w_handles = {}
    for grp in range(ngrp):
      nxt = grp + NBUF - 1
      if nxt < ngrp:
        if grp >= 1:
          for h in w_handles[grp - 1]:
            h.wait()
        g_handles[nxt] = fire_gathers(nxt)
      for h in g_handles[grp]:
        h.wait()
      w_handles[grp] = fire_writes(grp)
    for grp in range(max(0, ngrp - NBUF), ngrp):
      if grp in w_handles:
        for h in w_handles[grp]:
          h.wait()

  return functools.partial(
      pl.kernel,
      out_type=jax.ShapeDtypeStruct((nwin, BATCH, EMB), jnp.float32),
      mesh=plsc.VectorSubcoreMesh(core_axis_name="c", subcore_axis_name="s"),
      scratch_types=(
          [pltpu.VMEM((nchunk, CHUNK), jnp.int32)]
          + [pltpu.VMEM((CHUNK, EMB), jnp.float32) for _ in range(NBUF * K)]
          + [pltpu.SemaphoreType.DMA for _ in range(2 * NBUF)]
      ),
  )(body)


_sc_gather_a = _make_gather(WSPLIT)
if WSPLIT < WINDOW:
  _sc_gather_b = _make_gather(WINDOW - WSPLIT)


BM = 4096


def _partial_dots(g_ref, w_ref, lo, nwin, acc):
  for w in range(nwin):
    acc = acc + lax.dot_general(
        g_ref[w], w_ref[:, pl.ds((lo + w) * EMB, EMB)],
        dimension_numbers=(((1,), (1,)), ((), ())),
        preferred_element_type=jnp.float32,
    )
  return acc


def _matmul_a_body(g_ref, w_ref, b_ref, out_ref):
  out_ref[...] = _partial_dots(g_ref, w_ref, 0, WSPLIT, b_ref[...])


def _matmul_b_body(g_ref, w_ref, prev_ref, out_ref):
  out_ref[...] = _partial_dots(g_ref, w_ref, WSPLIT, WINDOW - WSPLIT,
                               prev_ref[...])


def _tc_matmul_a(g, W, b2d):
  return pl.pallas_call(
      _matmul_a_body,
      grid=(BATCH // BM,),
      in_specs=[
          pl.BlockSpec((WSPLIT, BM, EMB), lambda i: (0, i, 0)),
          pl.BlockSpec((N_CLASS, WINDOW * EMB), lambda i: (0, 0)),
          pl.BlockSpec((1, N_CLASS), lambda i: (0, 0)),
      ],
      out_specs=pl.BlockSpec((BM, N_CLASS), lambda i: (i, 0)),
      out_shape=jax.ShapeDtypeStruct((BATCH, N_CLASS), jnp.float32),
  )(g, W, b2d)


def _tc_matmul_b(g, W, prev):
  nw = WINDOW - WSPLIT
  return pl.pallas_call(
      _matmul_b_body,
      grid=(BATCH // BM,),
      in_specs=[
          pl.BlockSpec((nw, BM, EMB), lambda i: (0, i, 0)),
          pl.BlockSpec((N_CLASS, WINDOW * EMB), lambda i: (0, 0)),
          pl.BlockSpec((BM, N_CLASS), lambda i: (i, 0)),
      ],
      out_specs=pl.BlockSpec((BM, N_CLASS), lambda i: (i, 0)),
      out_shape=jax.ShapeDtypeStruct((BATCH, N_CLASS), jnp.float32),
  )(g, W, prev)


def _make_idx(xt, lo, n):
  return (xt[lo:lo + n]
          .reshape(n, NW, NB, CHUNK)
          .transpose(1, 0, 2, 3)
          .reshape(NW, n * NB, CHUNK))


@jax.jit
def kernel(x, table, W, b):
  xt = x.astype(jnp.int32).T
  g_a = _sc_gather_a(_make_idx(xt, 0, WSPLIT), table)
  part = _tc_matmul_a(g_a, W, b.reshape(1, N_CLASS))
  if WSPLIT == WINDOW:
    return part
  g_b = _sc_gather_b(_make_idx(xt, WSPLIT, WINDOW - WSPLIT), table)
  return _tc_matmul_b(g_b, W, part)

# --- scband reference (transcript-rebuilt; emitter-appended) ---
"""Pipeline reference for scband-nermodel-49048526520405 (READ-ONLY COPY).

The authoritative reference and input builder live on the scoring server;
editing this copy changes nothing except your own understanding.
"""

import jax, jax.numpy as jnp
import numpy as np

VOCAB_SIZE = 100000
N_CLASS = 50
EMB_SIZE = 128
BATCH = 16384
WINDOW = 5

def setup_inputs(seed: int = 0) -> dict:
    key = jax.random.key(seed)
    k1, k2, k3, k4 = jax.random.split(key, 4)
    x = jax.random.randint(k1, (BATCH, WINDOW), 0, VOCAB_SIZE + 1, dtype=jnp.int64 if jax.config.jax_enable_x64 else jnp.int32)
    # nn.Embedding(vocab_size + 1, emb_size): weight ~ N(0, 1)
    table = jax.random.normal(k2, (VOCAB_SIZE + 1, EMB_SIZE), dtype=jnp.float32)
    # nn.Linear(emb_size * 5, n_class): W [n_class, in], b [n_class], uniform(-1/sqrt(in), 1/sqrt(in))
    fan_in = EMB_SIZE * WINDOW
    bound = 1.0 / np.sqrt(fan_in)
    W = jax.random.uniform(k3, (N_CLASS, fan_in), minval=-bound, maxval=bound, dtype=jnp.float32)
    b = jax.random.uniform(k4, (N_CLASS,), minval=-bound, maxval=bound, dtype=jnp.float32)
    return {"x": x, "table": table, "W": W, "b": b}

def reference(x, table, W, b):
    # 1. embedding lookup: [N, 5] -> [N, 5, emb]
    emb = jnp.take(table, x, axis=0)
    # 2. flatten to [N, 5*emb]
    flat = emb.reshape(emb.shape[0], -1)
    # 3. linear layer
    out = flat @ W.T + b
    return out

if __name__ == "__main__":
    import jax
    _d = setup_inputs()
    print(jax.jit(kernel)(*tuple(_d.values())))

</pallas_src>

<mosaic_0001>
#map = affine_map<(d0, d1) -> (0, 0, 0)>
#map1 = affine_map<(d0, d1) -> (0, 0)>
module attributes {stable_mosaic.version = 14 : i64} {
  func.func @body(%arg0: i32, %arg1: i32, %arg2: memref<32x20x128xi32, #tpu.memory_space<hbm>>, %arg3: memref<100001x128xf32, #tpu.memory_space<hbm>>, %arg4: memref<5x16384x128xf32, #tpu.memory_space<hbm>>, %arg5: memref<20x128xi32, #tpu.memory_space<vmem>>, %arg6: memref<128x128xf32, #tpu.memory_space<vmem>>, %arg7: memref<128x128xf32, #tpu.memory_space<vmem>>, %arg8: memref<128x128xf32, #tpu.memory_space<vmem>>, %arg9: memref<128x128xf32, #tpu.memory_space<vmem>>, %arg10: memref<128x128xf32, #tpu.memory_space<vmem>>, %arg11: memref<128x128xf32, #tpu.memory_space<vmem>>, %arg12: memref<!tpu.dma_semaphore, #tpu.memory_space<semaphore_mem>>, %arg13: memref<!tpu.dma_semaphore, #tpu.memory_space<semaphore_mem>>, %arg14: memref<!tpu.dma_semaphore, #tpu.memory_space<semaphore_mem>>, %arg15: memref<!tpu.dma_semaphore, #tpu.memory_space<semaphore_mem>>, %arg16: memref<!tpu.dma_semaphore, #tpu.memory_space<semaphore_mem>>, %arg17: memref<!tpu.dma_semaphore, #tpu.memory_space<semaphore_mem>>, %arg18: memref<!tpu.dma_semaphore, #tpu.memory_space<semaphore_mem>>, %arg19: memref<!tpu.dma_semaphore, #tpu.memory_space<semaphore_mem>>, %arg20: memref<!tpu.dma_semaphore, #tpu.memory_space<semaphore_mem>>, %arg21: memref<!tpu.dma_semaphore, #tpu.memory_space<semaphore_mem>>, %arg22: memref<!tpu.dma_semaphore, #tpu.memory_space<semaphore_mem>>, %arg23: memref<!tpu.dma_semaphore, #tpu.memory_space<semaphore_mem>>) attributes {dimension_semantics = [#tpu.dimension_semantics<core_parallel>, #tpu.dimension_semantics<subcore_parallel>], iteration_bounds = array<i64: 2, 16>, scalar_prefetch = 0 : i64, scratch_operands = 19 : i64, tpu.core_type = #tpu.core_type<sc_vector_subcore>, window_params = [{transform_indices = #map}, {transform_indices = #map1}, {transform_indices = #map}]} {
    %mul3A = arith.constant 2 : i32
    %mul3A_0 = arith.muli %arg1, %mul3A : i32
    %add3A = arith.addi %mul3A_0, %arg0 : i32
    %mul3A_1 = arith.constant 512 : i32
    %mul3A_2 = arith.muli %add3A, %mul3A_1 : i32
    "tpu.region"() ({
      %run_scoped3A = tpu.sem_alloc : memref<!tpu.dma_semaphore, #tpu.memory_space<semaphore_mem>>
      %dma_start3A_601 = arith.constant 0 : i32
      %dma_start3A_602 = arith.constant 0 : i32
      %dma_start3A_603 = tpu.memref_slice %arg2[%add3A, %dma_start3A_601, %dma_start3A_602] : memref<32x20x128xi32, #tpu.memory_space<hbm>> -> memref<1x20x128xi32, #tpu.memory_space<hbm>>
      %dma_start3A_604 = tpu.memref_squeeze %dma_start3A_603 : memref<1x20x128xi32, #tpu.memory_space<hbm>> -> memref<20x128xi32, #tpu.memory_space<hbm>>
      %dma_start3A_605 = arith.constant 0 : i32
      %dma_start3A_606 = arith.constant 0 : i32
      %dma_start3A_607 = tpu.memref_slice %arg2[%add3A, %dma_start3A_605, %dma_start3A_606] : memref<32x20x128xi32, #tpu.memory_space<hbm>> -> memref<1x20x128xi32, #tpu.memory_space<hbm>>
      %dma_start3A_608 = tpu.memref_squeeze %dma_start3A_607 : memref<1x20x128xi32, #tpu.memory_space<hbm>> -> memref<20x128xi32, #tpu.memory_space<hbm>>
      tpu.enqueue_dma source(%dma_start3A_608 : memref<20x128xi32, #tpu.memory_space<hbm>>) target(%arg5 : memref<20x128xi32, #tpu.memory_space<vmem>>) target_semaphore(%run_scoped3A : memref<!tpu.dma_semaphore, #tpu.memory_space<semaphore_mem>>)
      %dma_wait3A_609 = arith.constant 0 : i32
      %dma_wait3A_610 = arith.constant 0 : i32
      %dma_wait3A_611 = tpu.memref_slice %arg2[%add3A, %dma_wait3A_609, %dma_wait3A_610] : memref<32x20x128xi32, #tpu.memory_space<hbm>> -> memref<1x20x128xi32, #tpu.memory_space<hbm>>
      %dma_wait3A_612 = tpu.memref_squeeze %dma_wait3A_611 : memref<1x20x128xi32, #tpu.memory_space<hbm>> -> memref<20x128xi32, #tpu.memory_space<hbm>>
      %dma_wait3A_613 = arith.constant 0 : i32
      %dma_wait3A_614 = arith.constant 0 : i32
      %dma_wait3A_615 = tpu.memref_slice %arg2[%add3A, %dma_wait3A_613, %dma_wait3A_614] : memref<32x20x128xi32, #tpu.memory_space<hbm>> -> memref<1x20x128xi32, #tpu.memory_space<hbm>>
      %dma_wait3A_616 = tpu.memref_squeeze %dma_wait3A_615 : memref<1x20x128xi32, #tpu.memory_space<hbm>> -> memref<20x128xi32, #tpu.memory_space<hbm>>
      tpu.wait_dma2 semaphore(%run_scoped3A : memref<!tpu.dma_semaphore, #tpu.memory_space<semaphore_mem>>) src(%dma_wait3A_616 : memref<20x128xi32, #tpu.memory_space<hbm>>) dst(%arg5 : memref<20x128xi32, #tpu.memory_space<vmem>>)
      tpu.yield
    }) : () -> ()
    %dma_start3A = arith.constant 0 : i32
    %dma_start3A_3 = arith.constant 0 : i32
    %dma_start3A_4 = tpu.memref_slice %arg5[%dma_start3A, %dma_start3A_3] : memref<20x128xi32, #tpu.memory_space<vmem>> -> memref<1x128xi32, #tpu.memory_space<vmem>>
    %dma_start3A_5 = tpu.memref_squeeze %dma_start3A_4 : memref<1x128xi32, #tpu.memory_space<vmem>> -> memref<128xi32, #tpu.memory_space<vmem>>
    %dma_start3A_6 = arith.constant 0 : i32
    %dma_start3A_7 = arith.constant 0 : i32
    %dma_start3A_8 = tpu.memref_slice %arg3[%dma_start3A_6, %dma_start3A_7] : memref<100001x128xf32, #tpu.memory_space<hbm>> -> memref<100001x128xf32, #tpu.memory_space<hbm>>
    tpu.enqueue_indirect_dma source(%dma_start3A_8 : memref<100001x128xf32, #tpu.memory_space<hbm>>) target(%arg6 : memref<128x128xf32, #tpu.memory_space<vmem>>) offsets(%dma_start3A_5 : memref<128xi32, #tpu.memory_space<vmem>>) semaphore(%arg12 : memref<!tpu.dma_semaphore, #tpu.memory_space<semaphore_mem>>)
    %dma_start3A_9 = arith.constant 1 : i32
    %dma_start3A_10 = arith.constant 0 : i32
    %dma_start3A_11 = tpu.memref_slice %arg5[%dma_start3A_9, %dma_start3A_10] : memref<20x128xi32, #tpu.memory_space<vmem>> -> memref<1x128xi32, #tpu.memory_space<vmem>>
    %dma_start3A_12 = tpu.memref_squeeze %dma_start3A_11 : memref<1x128xi32, #tpu.memory_space<vmem>> -> memref<128xi32, #tpu.memory_space<vmem>>
    %dma_start3A_13 = arith.constant 0 : i32
    %dma_start3A_14 = arith.constant 0 : i32
    %dma_start3A_15 = tpu.memref_slice %arg3[%dma_start3A_13, %dma_start3A_14] : memref<100001x128xf32, #tpu.memory_space<hbm>> -> memref<100001x128xf32, #tpu.memory_space<hbm>>
    tpu.enqueue_indirect_dma source(%dma_start3A_15 : memref<100001x128xf32, #tpu.memory_space<hbm>>) target(%arg7 : memref<128x128xf32, #tpu.memory_space<vmem>>) offsets(%dma_start3A_12 : memref<128xi32, #tpu.memory_space<vmem>>) semaphore(%arg13 : memref<!tpu.dma_semaphore, #tpu.memory_space<semaphore_mem>>)
    %dma_start3A_16 = arith.constant 2 : i32
    %dma_start3A_17 = arith.constant 0 : i32
    %dma_start3A_18 = tpu.memref_slice %arg5[%dma_start3A_16, %dma_start3A_17] : memref<20x128xi32, #tpu.memory_space<vmem>> -> memref<1x128xi32, #tpu.memory_space<vmem>>
    %dma_start3A_19 = tpu.memref_squeeze %dma_start3A_18 : memref<1x128xi32, #tpu.memory_space<vmem>> -> memref<128xi32, #tpu.memory_space<vmem>>
    %dma_start3A_20 = arith.constant 0 : i32
    %dma_start3A_21 = arith.constant 0 : i32
    %dma_start3A_22 = tpu.memref_slice %arg3[%dma_start3A_20, %dma_start3A_21] : memref<100001x128xf32, #tpu.memory_space<hbm>> -> memref<100001x128xf32, #tpu.memory_space<hbm>>
    tpu.enqueue_indirect_dma source(%dma_start3A_22 : memref<100001x128xf32, #tpu.memory_space<hbm>>) target(%arg8 : memref<128x128xf32, #tpu.memory_space<vmem>>) offsets(%dma_start3A_19 : memref<128xi32, #tpu.memory_space<vmem>>) semaphore(%arg14 : memref<!tpu.dma_semaphore, #tpu.memory_space<semaphore_mem>>)
    %dma_start3A_23 = arith.constant 3 : i32
    %dma_start3A_24 = arith.constant 0 : i32
    %dma_start3A_25 = tpu.memref_slice %arg5[%dma_start3A_23, %dma_start3A_24] : memref<20x128xi32, #tpu.memory_space<vmem>> -> memref<1x128xi32, #tpu.memory_space<vmem>>
    %dma_start3A_26 = tpu.memref_squeeze %dma_start3A_25 : memref<1x128xi32, #tpu.memory_space<vmem>> -> memref<128xi32, #tpu.memory_space<vmem>>
    %dma_start3A_27 = arith.constant 0 : i32
    %dma_start3A_28 = arith.constant 0 : i32
    %dma_start3A_29 = tpu.memref_slice %arg3[%dma_start3A_27, %dma_start3A_28] : memref<100001x128xf32, #tpu.memory_space<hbm>> -> memref<100001x128xf32, #tpu.memory_space<hbm>>
    tpu.enqueue_indirect_dma source(%dma_start3A_29 : memref<100001x128xf32, #tpu.memory_space<hbm>>) target(%arg9 : memref<128x128xf32, #tpu.memory_space<vmem>>) offsets(%dma_start3A_26 : memref<128xi32, #tpu.memory_space<vmem>>) semaphore(%arg15 : memref<!tpu.dma_semaphore, #tpu.memory_space<semaphore_mem>>)
    %dma_start3A_30 = arith.constant 4 : i32
    %dma_start3A_31 = arith.constant 0 : i32
    %dma_start3A_32 = tpu.memref_slice %arg5[%dma_start3A_30, %dma_start3A_31] : memref<20x128xi32, #tpu.memory_space<vmem>> -> memref<1x128xi32, #tpu.memory_space<vmem>>
    %dma_start3A_33 = tpu.memref_squeeze %dma_start3A_32 : memref<1x128xi32, #tpu.memory_space<vmem>> -> memref<128xi32, #tpu.memory_space<vmem>>
    %dma_start3A_34 = arith.constant 0 : i32
    %dma_start3A_35 = arith.constant 0 : i32
    %dma_start3A_36 = tpu.memref_slice %arg3[%dma_start3A_34, %dma_start3A_35] : memref<100001x128xf32, #tpu.memory_space<hbm>> -> memref<100001x128xf32, #tpu.memory_space<hbm>>
    tpu.enqueue_indirect_dma source(%dma_start3A_36 : memref<100001x128xf32, #tpu.memory_space<hbm>>) target(%arg10 : memref<128x128xf32, #tpu.memory_space<vmem>>) offsets(%dma_start3A_33 : memref<128xi32, #tpu.memory_space<vmem>>) semaphore(%arg16 : memref<!tpu.dma_semaphore, #tpu.memory_space<semaphore_mem>>)
    %dma_start3A_37 = arith.constant 5 : i32
    %dma_start3A_38 = arith.constant 0 : i32
    %dma_start3A_39 = tpu.memref_slice %arg5[%dma_start3A_37, %dma_start3A_38] : memref<20x128xi32, #tpu.memory_space<vmem>> -> memref<1x128xi32, #tpu.memory_space<vmem>>
    %dma_start3A_40 = tpu.memref_squeeze %dma_start3A_39 : memref<1x128xi32, #tpu.memory_space<vmem>> -> memref<128xi32, #tpu.memory_space<vmem>>
    %dma_start3A_41 = arith.constant 0 : i32
    %dma_start3A_42 = arith.constant 0 : i32
    %dma_start3A_43 = tpu.memref_slice %arg3[%dma_start3A_41, %dma_start3A_42] : memref<100001x128xf32, #tpu.memory_space<hbm>> -> memref<100001x128xf32, #tpu.memory_space<hbm>>
    tpu.enqueue_indirect_dma source(%dma_start3A_43 : memref<100001x128xf32, #tpu.memory_space<hbm>>) target(%arg11 : memref<128x128xf32, #tpu.memory_space<vmem>>) offsets(%dma_start3A_40 : memref<128xi32, #tpu.memory_space<vmem>>) semaphore(%arg17 : memref<!tpu.dma_semaphore, #tpu.memory_space<semaphore_mem>>)
    %dma_wait3A = arith.constant 0 : i32
    %dma_wait3A_44 = arith.constant 0 : i32
    %dma_wait3A_45 = tpu.memref_slice %arg5[%dma_wait3A, %dma_wait3A_44] : memref<20x128xi32, #tpu.memory_space<vmem>> -> memref<1x128xi32, #tpu.memory_space<vmem>>
    %dma_wait3A_46 = tpu.memref_squeeze %dma_wait3A_45 : memref<1x128xi32, #tpu.memory_space<vmem>> -> memref<128xi32, #tpu.memory_space<vmem>>
    %dma_wait3A_47 = arith.constant 0 : i32
    %dma_wait3A_48 = arith.constant 0 : i32
    %dma_wait3A_49 = tpu.memref_slice %arg3[%dma_wait3A_47, %dma_wait3A_48] : memref<100001x128xf32, #tpu.memory_space<hbm>> -> memref<100001x128xf32, #tpu.memory_space<hbm>>
    tpu.wait_indirect_dma semaphore(%arg12 : memref<!tpu.dma_semaphore, #tpu.memory_space<semaphore_mem>>) src(%dma_wait3A_49 : memref<100001x128xf32, #tpu.memory_space<hbm>>) dst(%arg6 : memref<128x128xf32, #tpu.memory_space<vmem>>)
    %add3A_50 = arith.constant 0 : i32
    %add3A_51 = arith.addi %mul3A_2, %add3A_50 : i32
    %dma_start3A_52 = arith.constant 0 : i32
    %dma_start3A_53 = arith.constant 0 : i32
    %dma_start3A_54 = tpu.memref_slice %arg4[%dma_start3A_52, %add3A_51, %dma_start3A_53] : memref<5x16384x128xf32, #tpu.memory_space<hbm>> -> memref<1x128x128xf32, #tpu.memory_space<hbm>>
    %dma_start3A_55 = tpu.memref_squeeze %dma_start3A_54 : memref<1x128x128xf32, #tpu.memory_space<hbm>> -> memref<128x128xf32, #tpu.memory_space<hbm>>
    %dma_start3A_56 = arith.constant 0 : i32
    %dma_start3A_57 = tpu.memref_slice %arg4[%dma_start3A_52, %add3A_51, %dma_start3A_56] : memref<5x16384x128xf32, #tpu.memory_space<hbm>> -> memref<1x128x128xf32, #tpu.memory_space<hbm>>
    %dma_start3A_58 = tpu.memref_squeeze %dma_start3A_57 : memref<1x128x128xf32, #tpu.memory_space<hbm>> -> memref<128x128xf32, #tpu.memory_space<hbm>>
    tpu.enqueue_dma source(%arg6 : memref<128x128xf32, #tpu.memory_space<vmem>>) target(%dma_start3A_58 : memref<128x128xf32, #tpu.memory_space<hbm>>) target_semaphore(%arg18 : memref<!tpu.dma_semaphore, #tpu.memory_space<semaphore_mem>>)
    %dma_wait3A_59 = arith.constant 0 : i32
    %dma_wait3A_60 = arith.constant 0 : i32
    %dma_wait3A_61 = tpu.memref_slice %arg4[%dma_wait3A_59, %add3A_51, %dma_wait3A_60] : memref<5x16384x128xf32, #tpu.memory_space<hbm>> -> memref<1x128x128xf32, #tpu.memory_space<hbm>>
    %dma_wait3A_62 = tpu.memref_squeeze %dma_wait3A_61 : memref<1x128x128xf32, #tpu.memory_space<hbm>> -> memref<128x128xf32, #tpu.memory_space<hbm>>
    %dma_wait3A_63 = arith.constant 0 : i32
    %dma_wait3A_64 = tpu.memref_slice %arg4[%dma_wait3A_59, %add3A_51, %dma_wait3A_63] : memref<5x16384x128xf32, #tpu.memory_space<hbm>> -> memref<1x128x128xf32, #tpu.memory_space<hbm>>
    %dma_wait3A_65 = tpu.memref_squeeze %dma_wait3A_64 : memref<1x128x128xf32, #tpu.memory_space<hbm>> -> memref<128x128xf32, #tpu.memory_space<hbm>>
    tpu.wait_dma2 semaphore(%arg18 : memref<!tpu.dma_semaphore, #tpu.memory_space<semaphore_mem>>) src(%arg6 : memref<128x128xf32, #tpu.memory_space<vmem>>) dst(%dma_wait3A_65 : memref<128x128xf32, #tpu.memory_space<hbm>>)
    %dma_start3A_66 = arith.constant 6 : i32
    %dma_start3A_67 = arith.constant 0 : i32
    %dma_start3A_68 = tpu.memref_slice %arg5[%dma_start3A_66, %dma_start3A_67] : memref<20x128xi32, #tpu.memory_space<vmem>> -> memref<1x128xi32, #tpu.memory_space<vmem>>
    %dma_start3A_69 = tpu.memref_squeeze %dma_start3A_68 : memref<1x128xi32, #tpu.memory_space<vmem>> -> memref<128xi32, #tpu.memory_space<vmem>>
    %dma_start3A_70 = arith.constant 0 : i32
    %dma_start3A_71 = arith.constant 0 : i32
    %dma_start3A_72 = tpu.memref_slice %arg3[%dma_start3A_70, %dma_start3A_71] : memref<100001x128xf32, #tpu.memory_space<hbm>> -> memref<100001x128xf32, #tpu.memory_space<hbm>>
    tpu.enqueue_indirect_dma source(%dma_start3A_72 : memref<100001x128xf32, #tpu.memory_space<hbm>>) target(%arg6 : memref<128x128xf32, #tpu.memory_space<vmem>>) offsets(%dma_start3A_69 : memref<128xi32, #tpu.memory_space<vmem>>) semaphore(%arg12 : memref<!tpu.dma_semaphore, #tpu.memory_space<semaphore_mem>>)
    %dma_wait3A_73 = arith.constant 1 : i32
    %dma_wait3A_74 = arith.constant 0 : i32
    %dma_wait3A_75 = tpu.memref_slice %arg5[%dma_wait3A_73, %dma_wait3A_74] : memref<20x128xi32, #tpu.memory_space<vmem>> -> memref<1x128xi32, #tpu.memory_space<vmem>>
    %dma_wait3A_76 = tpu.memref_squeeze %dma_wait3A_75 : memref<1x128xi32, #tpu.memory_space<vmem>> -> memref<128xi32, #tpu.memory_space<vmem>>
    %dma_wait3A_77 = arith.constant 0 : i32
    %dma_wait3A_78 = arith.constant 0 : i32
    %dma_wait3A_79 = tpu.memref_slice %arg3[%dma_wait3A_77, %dma_wait3A_78] : memref<100001x128xf32, #tpu.memory_space<hbm>> -> memref<100001x128xf32, #tpu.memory_space<hbm>>
    tpu.wait_indirect_dma semaphore(%arg13 : memref<!tpu.dma_semaphore, #tpu.memory_space<semaphore_mem>>) src(%dma_wait3A_79 : memref<100001x128xf32, #tpu.memory_space<hbm>>) dst(%arg7 : memref<128x128xf32, #tpu.memory_space<vmem>>)
    %add3A_80 = arith.constant 128 : i32
    %add3A_81 = arith.addi %mul3A_2, %add3A_80 : i32
    %dma_start3A_82 = arith.constant 0 : i32
    %dma_start3A_83 = arith.constant 0 : i32
    %dma_start3A_84 = tpu.memref_slice %arg4[%dma_start3A_82, %add3A_81, %dma_start3A_83] : memref<5x16384x128xf32, #tpu.memory_space<hbm>> -> memref<1x128x128xf32, #tpu.memory_space<hbm>>
    %dma_start3A_85 = tpu.memref_squeeze %dma_start3A_84 : memref<1x128x128xf32, #tpu.memory_space<hbm>> -> memref<128x128xf32, #tpu.memory_space<hbm>>
    %dma_start3A_86 = arith.constant 0 : i32
    %dma_start3A_87 = tpu.memref_slice %arg4[%dma_start3A_82, %add3A_81, %dma_start3A_86] : memref<5x16384x128xf32, #tpu.memory_space<hbm>> -> memref<1x128x128xf32, #tpu.memory_space<hbm>>
    %dma_start3A_88 = tpu.memref_squeeze %dma_start3A_87 : memref<1x128x128xf32, #tpu.memory_space<hbm>> -> memref<128x128xf32, #tpu.memory_space<hbm>>
    tpu.enqueue_dma source(%arg7 : memref<128x128xf32, #tpu.memory_space<vmem>>) target(%dma_start3A_88 : memref<128x128xf32, #tpu.memory_space<hbm>>) target_semaphore(%arg19 : memref<!tpu.dma_semaphore, #tpu.memory_space<semaphore_mem>>)
    %dma_wait3A_89 = arith.constant 0 : i32
    %dma_wait3A_90 = arith.constant 0 : i32
    %dma_wait3A_91 = tpu.memref_slice %arg4[%dma_wait3A_89, %add3A_81, %dma_wait3A_90] : memref<5x16384x128xf32, #tpu.memory_space<hbm>> -> memref<1x128x128xf32, #tpu.memory_space<hbm>>
    %dma_wait3A_92 = tpu.memref_squeeze %dma_wait3A_91 : memref<1x128x128xf32, #tpu.memory_space<hbm>> -> memref<128x128xf32, #tpu.memory_space<hbm>>
    %dma_wait3A_93 = arith.constant 0 : i32
    %dma_wait3A_94 = tpu.memref_slice %arg4[%dma_wait3A_89, %add3A_81, %dma_wait3A_93] : memref<5x16384x128xf32, #tpu.memory_space<hbm>> -> memref<1x128x128xf32, #tpu.memory_space<hbm>>
    %dma_wait3A_95 = tpu.memref_squeeze %dma_wait3A_94 : memref<1x128x128xf32, #tpu.memory_space<hbm>> -> memref<128x128xf32, #tpu.memory_space<hbm>>
    tpu.wait_dma2 semaphore(%arg19 : memref<!tpu.dma_semaphore, #tpu.memory_space<semaphore_mem>>) src(%arg7 : memref<128x128xf32, #tpu.memory_space<vmem>>) dst(%dma_wait3A_95 : memref<128x128xf32, #tpu.memory_space<hbm>>)
    %dma_start3A_96 = arith.constant 7 : i32
    %dma_start3A_97 = arith.constant 0 : i32
    %dma_start3A_98 = tpu.memref_slice %arg5[%dma_start3A_96, %dma_start3A_97] : memref<20x128xi32, #tpu.memory_space<vmem>> -> memref<1x128xi32, #tpu.memory_space<vmem>>
    %dma_start3A_99 = tpu.memref_squeeze %dma_start3A_98 : memref<1x128xi32, #tpu.memory_space<vmem>> -> memref<128xi32, #tpu.memory_space<vmem>>
    %dma_start3A_100 = arith.constant 0 : i32
    %dma_start3A_101 = arith.constant 0 : i32
    %dma_start3A_102 = tpu.memref_slice %arg3[%dma_start3A_100, %dma_start3A_101] : memref<100001x128xf32, #tpu.memory_space<hbm>> -> memref<100001x128xf32, #tpu.memory_space<hbm>>
    tpu.enqueue_indirect_dma source(%dma_start3A_102 : memref<100001x128xf32, #tpu.memory_space<hbm>>) target(%arg7 : memref<128x128xf32, #tpu.memory_space<vmem>>) offsets(%dma_start3A_99 : memref<128xi32, #tpu.memory_space<vmem>>) semaphore(%arg13 : memref<!tpu.dma_semaphore, #tpu.memory_space<semaphore_mem>>)
    %dma_wait3A_103 = arith.constant 2 : i32
    %dma_wait3A_104 = arith.constant 0 : i32
    %dma_wait3A_105 = tpu.memref_slice %arg5[%dma_wait3A_103, %dma_wait3A_104] : memref<20x128xi32, #tpu.memory_space<vmem>> -> memref<1x128xi32, #tpu.memory_space<vmem>>
    %dma_wait3A_106 = tpu.memref_squeeze %dma_wait3A_105 : memref<1x128xi32, #tpu.memory_space<vmem>> -> memref<128xi32, #tpu.memory_space<vmem>>
    %dma_wait3A_107 = arith.constant 0 : i32
    %dma_wait3A_108 = arith.constant 0 : i32
    %dma_wait3A_109 = tpu.memref_slice %arg3[%dma_wait3A_107, %dma_wait3A_108] : memref<100001x128xf32, #tpu.memory_space<hbm>> -> memref<100001x128xf32, #tpu.memory_space<hbm>>
    tpu.wait_indirect_dma semaphore(%arg14 : memref<!tpu.dma_semaphore, #tpu.memory_space<semaphore_mem>>) src(%dma_wait3A_109 : memref<100001x128xf32, #tpu.memory_space<hbm>>) dst(%arg8 : memref<128x128xf32, #tpu.memory_space<vmem>>)
    %add3A_110 = arith.constant 256 : i32
    %add3A_111 = arith.addi %mul3A_2, %add3A_110 : i32
    %dma_start3A_112 = arith.constant 0 : i32
    %dma_start3A_113 = arith.constant 0 : i32
    %dma_start3A_114 = tpu.memref_slice %arg4[%dma_start3A_112, %add3A_111, %dma_start3A_113] : memref<5x16384x128xf32, #tpu.memory_space<hbm>> -> memref<1x128x128xf32, #tpu.memory_space<hbm>>
    %dma_start3A_115 = tpu.memref_squeeze %dma_start3A_114 : memref<1x128x128xf32, #tpu.memory_space<hbm>> -> memref<128x128xf32, #tpu.memory_space<hbm>>
    %dma_start3A_116 = arith.constant 0 : i32
    %dma_start3A_117 = tpu.memref_slice %arg4[%dma_start3A_112, %add3A_111, %dma_start3A_116] : memref<5x16384x128xf32, #tpu.memory_space<hbm>> -> memref<1x128x128xf32, #tpu.memory_space<hbm>>
    %dma_start3A_118 = tpu.memref_squeeze %dma_start3A_117 : memref<1x128x128xf32, #tpu.memory_space<hbm>> -> memref<128x128xf32, #tpu.memory_space<hbm>>
    tpu.enqueue_dma source(%arg8 : memref<128x128xf32, #tpu.memory_space<vmem>>) target(%dma_start3A_118 : memref<128x128xf32, #tpu.memory_space<hbm>>) target_semaphore(%arg20 : memref<!tpu.dma_semaphore, #tpu.memory_space<semaphore_mem>>)
    %dma_wait3A_119 = arith.constant 0 : i32
    %dma_wait3A_120 = arith.constant 0 : i32
    %dma_wait3A_121 = tpu.memref_slice %arg4[%dma_wait3A_119, %add3A_111, %dma_wait3A_120] : memref<5x16384x128xf32, #tpu.memory_space<hbm>> -> memref<1x128x128xf32, #tpu.memory_space<hbm>>
    %dma_wait3A_122 = tpu.memref_squeeze %dma_wait3A_121 : memref<1x128x128xf32, #tpu.memory_space<hbm>> -> memref<128x128xf32, #tpu.memory_space<hbm>>
    %dma_wait3A_123 = arith.constant 0 : i32
    %dma_wait3A_124 = tpu.memref_slice %arg4[%dma_wait3A_119, %add3A_111, %dma_wait3A_123] : memref<5x16384x128xf32, #tpu.memory_space<hbm>> -> memref<1x128x128xf32, #tpu.memory_space<hbm>>
    %dma_wait3A_125 = tpu.memref_squeeze %dma_wait3A_124 : memref<1x128x128xf32, #tpu.memory_space<hbm>> -> memref<128x128xf32, #tpu.memory_space<hbm>>
    tpu.wait_dma2 semaphore(%arg20 : memref<!tpu.dma_semaphore, #tpu.memory_space<semaphore_mem>>) src(%arg8 : memref<128x128xf32, #tpu.memory_space<vmem>>) dst(%dma_wait3A_125 : memref<128x128xf32, #tpu.memory_space<hbm>>)
    %dma_start3A_126 = arith.constant 8 : i32
    %dma_start3A_127 = arith.constant 0 : i32
    %dma_start3A_128 = tpu.memref_slice %arg5[%dma_start3A_126, %dma_start3A_127] : memref<20x128xi32, #tpu.memory_space<vmem>> -> memref<1x128xi32, #tpu.memory_space<vmem>>
    %dma_start3A_129 = tpu.memref_squeeze %dma_start3A_128 : memref<1x128xi32, #tpu.memory_space<vmem>> -> memref<128xi32, #tpu.memory_space<vmem>>
    %dma_start3A_130 = arith.constant 0 : i32
    %dma_start3A_131 = arith.constant 0 : i32
    %dma_start3A_132 = tpu.memref_slice %arg3[%dma_start3A_130, %dma_start3A_131] : memref<100001x128xf32, #tpu.memory_space<hbm>> -> memref<100001x128xf32, #tpu.memory_space<hbm>>
    tpu.enqueue_indirect_dma source(%dma_start3A_132 : memref<100001x128xf32, #tpu.memory_space<hbm>>) target(%arg8 : memref<128x128xf32, #tpu.memory_space<vmem>>) offsets(%dma_start3A_129 : memref<128xi32, #tpu.memory_space<vmem>>) semaphore(%arg14 : memref<!tpu.dma_semaphore, #tpu.memory_space<semaphore_mem>>)
    %dma_wait3A_133 = arith.constant 3 : i32
    %dma_wait3A_134 = arith.constant 0 : i32
    %dma_wait3A_135 = tpu.memref_slice %arg5[%dma_wait3A_133, %dma_wait3A_134] : memref<20x128xi32, #tpu.memory_space<vmem>> -> memref<1x128xi32, #tpu.memory_space<vmem>>
    %dma_wait3A_136 = tpu.memref_squeeze %dma_wait3A_135 : memref<1x128xi32, #tpu.memory_space<vmem>> -> memref<128xi32, #tpu.memory_space<vmem>>
    %dma_wait3A_137 = arith.constant 0 : i32
    %dma_wait3A_138 = arith.constant 0 : i32
    %dma_wait3A_139 = tpu.memref_slice %arg3[%dma_wait3A_137, %dma_wait3A_138] : memref<100001x128xf32, #tpu.memory_space<hbm>> -> memref<100001x128xf32, #tpu.memory_space<hbm>>
    tpu.wait_indirect_dma semaphore(%arg15 : memref<!tpu.dma_semaphore, #tpu.memory_space<semaphore_mem>>) src(%dma_wait3A_139 : memref<100001x128xf32, #tpu.memory_space<hbm>>) dst(%arg9 : memref<128x128xf32, #tpu.memory_space<vmem>>)
    %add3A_140 = arith.constant 384 : i32
    %add3A_141 = arith.addi %mul3A_2, %add3A_140 : i32
    %dma_start3A_142 = arith.constant 0 : i32
    %dma_start3A_143 = arith.constant 0 : i32
    %dma_start3A_144 = tpu.memref_slice %arg4[%dma_start3A_142, %add3A_141, %dma_start3A_143] : memref<5x16384x128xf32, #tpu.memory_space<hbm>> -> memref<1x128x128xf32, #tpu.memory_space<hbm>>
    %dma_start3A_145 = tpu.memref_squeeze %dma_start3A_144 : memref<1x128x128xf32, #tpu.memory_space<hbm>> -> memref<128x128xf32, #tpu.memory_space<hbm>>
    %dma_start3A_146 = arith.constant 0 : i32
    %dma_start3A_147 = tpu.memref_slice %arg4[%dma_start3A_142, %add3A_141, %dma_start3A_146] : memref<5x16384x128xf32, #tpu.memory_space<hbm>> -> memref<1x128x128xf32, #tpu.memory_space<hbm>>
    %dma_start3A_148 = tpu.memref_squeeze %dma_start3A_147 : memref<1x128x128xf32, #tpu.memory_space<hbm>> -> memref<128x128xf32, #tpu.memory_space<hbm>>
    tpu.enqueue_dma source(%arg9 : memref<128x128xf32, #tpu.memory_space<vmem>>) target(%dma_start3A_148 : memref<128x128xf32, #tpu.memory_space<hbm>>) target_semaphore(%arg21 : memref<!tpu.dma_semaphore, #tpu.memory_space<semaphore_mem>>)
    %dma_wait3A_149 = arith.constant 0 : i32
    %dma_wait3A_150 = arith.constant 0 : i32
    %dma_wait3A_151 = tpu.memref_slice %arg4[%dma_wait3A_149, %add3A_141, %dma_wait3A_150] : memref<5x16384x128xf32, #tpu.memory_space<hbm>> -> memref<1x128x128xf32, #tpu.memory_space<hbm>>
    %dma_wait3A_152 = tpu.memref_squeeze %dma_wait3A_151 : memref<1x128x128xf32, #tpu.memory_space<hbm>> -> memref<128x128xf32, #tpu.memory_space<hbm>>
    %dma_wait3A_153 = arith.constant 0 : i32
    %dma_wait3A_154 = tpu.memref_slice %arg4[%dma_wait3A_149, %add3A_141, %dma_wait3A_153] : memref<5x16384x128xf32, #tpu.memory_space<hbm>> -> memref<1x128x128xf32, #tpu.memory_space<hbm>>
    %dma_wait3A_155 = tpu.memref_squeeze %dma_wait3A_154 : memref<1x128x128xf32, #tpu.memory_space<hbm>> -> memref<128x128xf32, #tpu.memory_space<hbm>>
    tpu.wait_dma2 semaphore(%arg21 : memref<!tpu.dma_semaphore, #tpu.memory_space<semaphore_mem>>) src(%arg9 : memref<128x128xf32, #tpu.memory_space<vmem>>) dst(%dma_wait3A_155 : memref<128x128xf32, #tpu.memory_space<hbm>>)
    %dma_start3A_156 = arith.constant 9 : i32
    %dma_start3A_157 = arith.constant 0 : i32
    %dma_start3A_158 = tpu.memref_slice %arg5[%dma_start3A_156, %dma_start3A_157] : memref<20x128xi32, #tpu.memory_space<vmem>> -> memref<1x128xi32, #tpu.memory_space<vmem>>
    %dma_start3A_159 = tpu.memref_squeeze %dma_start3A_158 : memref<1x128xi32, #tpu.memory_space<vmem>> -> memref<128xi32, #tpu.memory_space<vmem>>
    %dma_start3A_160 = arith.constant 0 : i32
    %dma_start3A_161 = arith.constant 0 : i32
    %dma_start3A_162 = tpu.memref_slice %arg3[%dma_start3A_160, %dma_start3A_161] : memref<100001x128xf32, #tpu.memory_space<hbm>> -> memref<100001x128xf32, #tpu.memory_space<hbm>>
    tpu.enqueue_indirect_dma source(%dma_start3A_162 : memref<100001x128xf32, #tpu.memory_space<hbm>>) target(%arg9 : memref<128x128xf32, #tpu.memory_space<vmem>>) offsets(%dma_start3A_159 : memref<128xi32, #tpu.memory_space<vmem>>) semaphore(%arg15 : memref<!tpu.dma_semaphore, #tpu.memory_space<semaphore_mem>>)
    %dma_wait3A_163 = arith.constant 4 : i32
    %dma_wait3A_164 = arith.constant 0 : i32
    %dma_wait3A_165 = tpu.memref_slice %arg5[%dma_wait3A_163, %dma_wait3A_164] : memref<20x128xi32, #tpu.memory_space<vmem>> -> memref<1x128xi32, #tpu.memory_space<vmem>>
    %dma_wait3A_166 = tpu.memref_squeeze %dma_wait3A_165 : memref<1x128xi32, #tpu.memory_space<vmem>> -> memref<128xi32, #tpu.memory_space<vmem>>
    %dma_wait3A_167 = arith.constant 0 : i32
    %dma_wait3A_168 = arith.constant 0 : i32
    %dma_wait3A_169 = tpu.memref_slice %arg3[%dma_wait3A_167, %dma_wait3A_168] : memref<100001x128xf32, #tpu.memory_space<hbm>> -> memref<100001x128xf32, #tpu.memory_space<hbm>>
    tpu.wait_indirect_dma semaphore(%arg16 : memref<!tpu.dma_semaphore, #tpu.memory_space<semaphore_mem>>) src(%dma_wait3A_169 : memref<100001x128xf32, #tpu.memory_space<hbm>>) dst(%arg10 : memref<128x128xf32, #tpu.memory_space<vmem>>)
    %add3A_170 = arith.constant 0 : i32
    %add3A_171 = arith.addi %mul3A_2, %add3A_170 : i32
    %dma_start3A_172 = arith.constant 1 : i32
    %dma_start3A_173 = arith.constant 0 : i32
    %dma_start3A_174 = tpu.memref_slice %arg4[%dma_start3A_172, %add3A_171, %dma_start3A_173] : memref<5x16384x128xf32, #tpu.memory_space<hbm>> -> memref<1x128x128xf32, #tpu.memory_space<hbm>>
    %dma_start3A_175 = tpu.memref_squeeze %dma_start3A_174 : memref<1x128x128xf32, #tpu.memory_space<hbm>> -> memref<128x128xf32, #tpu.memory_space<hbm>>
    %dma_start3A_176 = arith.constant 0 : i32
    %dma_start3A_177 = tpu.memref_slice %arg4[%dma_start3A_172, %add3A_171, %dma_start3A_176] : memref<5x16384x128xf32, #tpu.memory_space<hbm>> -> memref<1x128x128xf32, #tpu.memory_space<hbm>>
    %dma_start3A_178 = tpu.memref_squeeze %dma_start3A_177 : memref<1x128x128xf32, #tpu.memory_space<hbm>> -> memref<128x128xf32, #tpu.memory_space<hbm>>
    tpu.enqueue_dma source(%arg10 : memref<128x128xf32, #tpu.memory_space<vmem>>) target(%dma_start3A_178 : memref<128x128xf32, #tpu.memory_space<hbm>>) target_semaphore(%arg22 : memref<!tpu.dma_semaphore, #tpu.memory_space<semaphore_mem>>)
    %dma_wait3A_179 = arith.constant 1 : i32
    %dma_wait3A_180 = arith.constant 0 : i32
    %dma_wait3A_181 = tpu.memref_slice %arg4[%dma_wait3A_179, %add3A_171, %dma_wait3A_180] : memref<5x16384x128xf32, #tpu.memory_space<hbm>> -> memref<1x128x128xf32, #tpu.memory_space<hbm>>
    %dma_wait3A_182 = tpu.memref_squeeze %dma_wait3A_181 : memref<1x128x128xf32, #tpu.memory_space<hbm>> -> memref<128x128xf32, #tpu.memory_space<hbm>>
    %dma_wait3A_183 = arith.constant 0 : i32
    %dma_wait3A_184 = tpu.memref_slice %arg4[%dma_wait3A_179, %add3A_171, %dma_wait3A_183] : memref<5x16384x128xf32, #tpu.memory_space<hbm>> -> memref<1x128x128xf32, #tpu.memory_space<hbm>>
    %dma_wait3A_185 = tpu.memref_squeeze %dma_wait3A_184 : memref<1x128x128xf32, #tpu.memory_space<hbm>> -> memref<128x128xf32, #tpu.memory_space<hbm>>
    tpu.wait_dma2 semaphore(%arg22 : memref<!tpu.dma_semaphore, #tpu.memory_space<semaphore_mem>>) src(%arg10 : memref<128x128xf32, #tpu.memory_space<vmem>>) dst(%dma_wait3A_185 : memref<128x128xf32, #tpu.memory_space<hbm>>)
    %dma_start3A_186 = arith.constant 10 : i32
    %dma_start3A_187 = arith.constant 0 : i32
    %dma_start3A_188 = tpu.memref_slice %arg5[%dma_start3A_186, %dma_start3A_187] : memref<20x128xi32, #tpu.memory_space<vmem>> -> memref<1x128xi32, #tpu.memory_space<vmem>>
    %dma_start3A_189 = tpu.memref_squeeze %dma_start3A_188 : memref<1x128xi32, #tpu.memory_space<vmem>> -> memref<128xi32, #tpu.memory_space<vmem>>
    %dma_start3A_190 = arith.constant 0 : i32
    %dma_start3A_191 = arith.constant 0 : i32
    %dma_start3A_192 = tpu.memref_slice %arg3[%dma_start3A_190, %dma_start3A_191] : memref<100001x128xf32, #tpu.memory_space<hbm>> -> memref<100001x128xf32, #tpu.memory_space<hbm>>
    tpu.enqueue_indirect_dma source(%dma_start3A_192 : memref<100001x128xf32, #tpu.memory_space<hbm>>) target(%arg10 : memref<128x128xf32, #tpu.memory_space<vmem>>) offsets(%dma_start3A_189 : memref<128xi32, #tpu.memory_space<vmem>>) semaphore(%arg16 : memref<!tpu.dma_semaphore, #tpu.memory_space<semaphore_mem>>)
    %dma_wait3A_193 = arith.constant 5 : i32
    %dma_wait3A_194 = arith.constant 0 : i32
    %dma_wait3A_195 = tpu.memref_slice %arg5[%dma_wait3A_193, %dma_wait3A_194] : memref<20x128xi32, #tpu.memory_space<vmem>> -> memref<1x128xi32, #tpu.memory_space<vmem>>
    %dma_wait3A_196 = tpu.memref_squeeze %dma_wait3A_195 : memref<1x128xi32, #tpu.memory_space<vmem>> -> memref<128xi32, #tpu.memory_space<vmem>>
    %dma_wait3A_197 = arith.constant 0 : i32
    %dma_wait3A_198 = arith.constant 0 : i32
    %dma_wait3A_199 = tpu.memref_slice %arg3[%dma_wait3A_197, %dma_wait3A_198] : memref<100001x128xf32, #tpu.memory_space<hbm>> -> memref<100001x128xf32, #tpu.memory_space<hbm>>
    tpu.wait_indirect_dma semaphore(%arg17 : memref<!tpu.dma_semaphore, #tpu.memory_space<semaphore_mem>>) src(%dma_wait3A_199 : memref<100001x128xf32, #tpu.memory_space<hbm>>) dst(%arg11 : memref<128x128xf32, #tpu.memory_space<vmem>>)
    %add3A_200 = arith.constant 128 : i32
    %add3A_201 = arith.addi %mul3A_2, %add3A_200 : i32
    %dma_start3A_202 = arith.constant 1 : i32
    %dma_start3A_203 = arith.constant 0 : i32
    %dma_start3A_204 = tpu.memref_slice %arg4[%dma_start3A_202, %add3A_201, %dma_start3A_203] : memref<5x16384x128xf32, #tpu.memory_space<hbm>> -> memref<1x128x128xf32, #tpu.memory_space<hbm>>
    %dma_start3A_205 = tpu.memref_squeeze %dma_start3A_204 : memref<1x128x128xf32, #tpu.memory_space<hbm>> -> memref<128x128xf32, #tpu.memory_space<hbm>>
    %dma_start3A_206 = arith.constant 0 : i32
    %dma_start3A_207 = tpu.memref_slice %arg4[%dma_start3A_202, %add3A_201, %dma_start3A_206] : memref<5x16384x128xf32, #tpu.memory_space<hbm>> -> memref<1x128x128xf32, #tpu.memory_space<hbm>>
    %dma_start3A_208 = tpu.memref_squeeze %dma_start3A_207 : memref<1x128x128xf32, #tpu.memory_space<hbm>> -> memref<128x128xf32, #tpu.memory_space<hbm>>
    tpu.enqueue_dma source(%arg11 : memref<128x128xf32, #tpu.memory_space<vmem>>) target(%dma_start3A_208 : memref<128x128xf32, #tpu.memory_space<hbm>>) target_semaphore(%arg23 : memref<!tpu.dma_semaphore, #tpu.memory_space<semaphore_mem>>)
    %dma_wait3A_209 = arith.constant 1 : i32
    %dma_wait3A_210 = arith.constant 0 : i32
    %dma_wait3A_211 = tpu.memref_slice %arg4[%dma_wait3A_209, %add3A_201, %dma_wait3A_210] : memref<5x16384x128xf32, #tpu.memory_space<hbm>> -> memref<1x128x128xf32, #tpu.memory_space<hbm>>
    %dma_wait3A_212 = tpu.memref_squeeze %dma_wait3A_211 : memref<1x128x128xf32, #tpu.memory_space<hbm>> -> memref<128x128xf32, #tpu.memory_space<hbm>>
    %dma_wait3A_213 = arith.constant 0 : i32
    %dma_wait3A_214 = tpu.memref_slice %arg4[%dma_wait3A_209, %add3A_201, %dma_wait3A_213] : memref<5x16384x128xf32, #tpu.memory_space<hbm>> -> memref<1x128x128xf32, #tpu.memory_space<hbm>>
    %dma_wait3A_215 = tpu.memref_squeeze %dma_wait3A_214 : memref<1x128x128xf32, #tpu.memory_space<hbm>> -> memref<128x128xf32, #tpu.memory_space<hbm>>
    tpu.wait_dma2 semaphore(%arg23 : memref<!tpu.dma_semaphore, #tpu.memory_space<semaphore_mem>>) src(%arg11 : memref<128x128xf32, #tpu.memory_space<vmem>>) dst(%dma_wait3A_215 : memref<128x128xf32, #tpu.memory_space<hbm>>)
    %dma_start3A_216 = arith.constant 11 : i32
    %dma_start3A_217 = arith.constant 0 : i32
    %dma_start3A_218 = tpu.memref_slice %arg5[%dma_start3A_216, %dma_start3A_217] : memref<20x128xi32, #tpu.memory_space<vmem>> -> memref<1x128xi32, #tpu.memory_space<vmem>>
    %dma_start3A_219 = tpu.memref_squeeze %dma_start3A_218 : memref<1x128xi32, #tpu.memory_space<vmem>> -> memref<128xi32, #tpu.memory_space<vmem>>
    %dma_start3A_220 = arith.constant 0 : i32
    %dma_start3A_221 = arith.constant 0 : i32
    %dma_start3A_222 = tpu.memref_slice %arg3[%dma_start3A_220, %dma_start3A_221] : memref<100001x128xf32, #tpu.memory_space<hbm>> -> memref<100001x128xf32, #tpu.memory_space<hbm>>
    tpu.enqueue_indirect_dma source(%dma_start3A_222 : memref<100001x128xf32, #tpu.memory_space<hbm>>) target(%arg11 : memref<128x128xf32, #tpu.memory_space<vmem>>) offsets(%dma_start3A_219 : memref<128xi32, #tpu.memory_space<vmem>>) semaphore(%arg17 : memref<!tpu.dma_semaphore, #tpu.memory_space<semaphore_mem>>)
    %dma_wait3A_223 = arith.constant 6 : i32
    %dma_wait3A_224 = arith.constant 0 : i32
    %dma_wait3A_225 = tpu.memref_slice %arg5[%dma_wait3A_223, %dma_wait3A_224] : memref<20x128xi32, #tpu.memory_space<vmem>> -> memref<1x128xi32, #tpu.memory_space<vmem>>
    %dma_wait3A_226 = tpu.memref_squeeze %dma_wait3A_225 : memref<1x128xi32, #tpu.memory_space<vmem>> -> memref<128xi32, #tpu.memory_space<vmem>>
    %dma_wait3A_227 = arith.constant 0 : i32
    %dma_wait3A_228 = arith.constant 0 : i32
    %dma_wait3A_229 = tpu.memref_slice %arg3[%dma_wait3A_227, %dma_wait3A_228] : memref<100001x128xf32, #tpu.memory_space<hbm>> -> memref<100001x128xf32, #tpu.memory_space<hbm>>
    tpu.wait_indirect_dma semaphore(%arg12 : memref<!tpu.dma_semaphore, #tpu.memory_space<semaphore_mem>>) src(%dma_wait3A_229 : memref<100001x128xf32, #tpu.memory_space<hbm>>) dst(%arg6 : memref<128x128xf32, #tpu.memory_space<vmem>>)
    %add3A_230 = arith.constant 256 : i32
    %add3A_231 = arith.addi %mul3A_2, %add3A_230 : i32
    %dma_start3A_232 = arith.constant 1 : i32
    %dma_start3A_233 = arith.constant 0 : i32
    %dma_start3A_234 = tpu.memref_slice %arg4[%dma_start3A_232, %add3A_231, %dma_start3A_233] : memref<5x16384x128xf32, #tpu.memory_space<hbm>> -> memref<1x128x128xf32, #tpu.memory_space<hbm>>
    %dma_start3A_235 = tpu.memref_squeeze %dma_start3A_234 : memref<1x128x128xf32, #tpu.memory_space<hbm>> -> memref<128x128xf32, #tpu.memory_space<hbm>>
    %dma_start3A_236 = arith.constant 0 : i32
    %dma_start3A_237 = tpu.memref_slice %arg4[%dma_start3A_232, %add3A_231, %dma_start3A_236] : memref<5x16384x128xf32, #tpu.memory_space<hbm>> -> memref<1x128x128xf32, #tpu.memory_space<hbm>>
    %dma_start3A_238 = tpu.memref_squeeze %dma_start3A_237 : memref<1x128x128xf32, #tpu.memory_space<hbm>> -> memref<128x128xf32, #tpu.memory_space<hbm>>
    tpu.enqueue_dma source(%arg6 : memref<128x128xf32, #tpu.memory_space<vmem>>) target(%dma_start3A_238 : memref<128x128xf32, #tpu.memory_space<hbm>>) target_semaphore(%arg18 : memref<!tpu.dma_semaphore, #tpu.memory_space<semaphore_mem>>)
    %dma_wait3A_239 = arith.constant 1 : i32
    %dma_wait3A_240 = arith.constant 0 : i32
    %dma_wait3A_241 = tpu.memref_slice %arg4[%dma_wait3A_239, %add3A_231, %dma_wait3A_240] : memref<5x16384x128xf32, #tpu.memory_space<hbm>> -> memref<1x128x128xf32, #tpu.memory_space<hbm>>
    %dma_wait3A_242 = tpu.memref_squeeze %dma_wait3A_241 : memref<1x128x128xf32, #tpu.memory_space<hbm>> -> memref<128x128xf32, #tpu.memory_space<hbm>>
    %dma_wait3A_243 = arith.constant 0 : i32
    %dma_wait3A_244 = tpu.memref_slice %arg4[%dma_wait3A_239, %add3A_231, %dma_wait3A_243] : memref<5x16384x128xf32, #tpu.memory_space<hbm>> -> memref<1x128x128xf32, #tpu.memory_space<hbm>>
    %dma_wait3A_245 = tpu.memref_squeeze %dma_wait3A_244 : memref<1x128x128xf32, #tpu.memory_space<hbm>> -> memref<128x128xf32, #tpu.memory_space<hbm>>
    tpu.wait_dma2 semaphore(%arg18 : memref<!tpu.dma_semaphore, #tpu.memory_space<semaphore_mem>>) src(%arg6 : memref<128x128xf32, #tpu.memory_space<vmem>>) dst(%dma_wait3A_245 : memref<128x128xf32, #tpu.memory_space<hbm>>)
    %dma_start3A_246 = arith.constant 12 : i32
    %dma_start3A_247 = arith.constant 0 : i32
    %dma_start3A_248 = tpu.memref_slice %arg5[%dma_start3A_246, %dma_start3A_247] : memref<20x128xi32, #tpu.memory_space<vmem>> -> memref<1x128xi32, #tpu.memory_space<vmem>>
    %dma_start3A_249 = tpu.memref_squeeze %dma_start3A_248 : memref<1x128xi32, #tpu.memory_space<vmem>> -> memref<128xi32, #tpu.memory_space<vmem>>
    %dma_start3A_250 = arith.constant 0 : i32
    %dma_start3A_251 = arith.constant 0 : i32
    %dma_start3A_252 = tpu.memref_slice %arg3[%dma_start3A_250, %dma_start3A_251] : memref<100001x128xf32, #tpu.memory_space<hbm>> -> memref<100001x128xf32, #tpu.memory_space<hbm>>
    tpu.enqueue_indirect_dma source(%dma_start3A_252 : memref<100001x128xf32, #tpu.memory_space<hbm>>) target(%arg6 : memref<128x128xf32, #tpu.memory_space<vmem>>) offsets(%dma_start3A_249 : memref<128xi32, #tpu.memory_space<vmem>>) semaphore(%arg12 : memref<!tpu.dma_semaphore, #tpu.memory_space<semaphore_mem>>)
    %dma_wait3A_253 = arith.constant 7 : i32
    %dma_wait3A_254 = arith.constant 0 : i32
    %dma_wait3A_255 = tpu.memref_slice %arg5[%dma_wait3A_253, %dma_wait3A_254] : memref<20x128xi32, #tpu.memory_space<vmem>> -> memref<1x128xi32, #tpu.memory_space<vmem>>
    %dma_wait3A_256 = tpu.memref_squeeze %dma_wait3A_255 : memref<1x128xi32, #tpu.memory_space<vmem>> -> memref<128xi32, #tpu.memory_space<vmem>>
    %dma_wait3A_257 = arith.constant 0 : i32
    %dma_wait3A_258 = arith.constant 0 : i32
    %dma_wait3A_259 = tpu.memref_slice %arg3[%dma_wait3A_257, %dma_wait3A_258] : memref<100001x128xf32, #tpu.memory_space<hbm>> -> memref<100001x128xf32, #tpu.memory_space<hbm>>
    tpu.wait_indirect_dma semaphore(%arg13 : memref<!tpu.dma_semaphore, #tpu.memory_space<semaphore_mem>>) src(%dma_wait3A_259 : memref<100001x128xf32, #tpu.memory_space<hbm>>) dst(%arg7 : memref<128x128xf32, #tpu.memory_space<vmem>>)
    %add3A_260 = arith.constant 384 : i32
    %add3A_261 = arith.addi %mul3A_2, %add3A_260 : i32
    %dma_start3A_262 = arith.constant 1 : i32
    %dma_start3A_263 = arith.constant 0 : i32
    %dma_start3A_264 = tpu.memref_slice %arg4[%dma_start3A_262, %add3A_261, %dma_start3A_263] : memref<5x16384x128xf32, #tpu.memory_space<hbm>> -> memref<1x128x128xf32, #tpu.memory_space<hbm>>
    %dma_start3A_265 = tpu.memref_squeeze %dma_start3A_264 : memref<1x128x128xf32, #tpu.memory_space<hbm>> -> memref<128x128xf32, #tpu.memory_space<hbm>>
    %dma_start3A_266 = arith.constant 0 : i32
    %dma_start3A_267 = tpu.memref_slice %arg4[%dma_start3A_262, %add3A_261, %dma_start3A_266] : memref<5x16384x128xf32, #tpu.memory_space<hbm>> -> memref<1x128x128xf32, #tpu.memory_space<hbm>>
    %dma_start3A_268 = tpu.memref_squeeze %dma_start3A_267 : memref<1x128x128xf32, #tpu.memory_space<hbm>> -> memref<128x128xf32, #tpu.memory_space<hbm>>
    tpu.enqueue_dma source(%arg7 : memref<128x128xf32, #tpu.memory_space<vmem>>) target(%dma_start3A_268 : memref<128x128xf32, #tpu.memory_space<hbm>>) target_semaphore(%arg19 : memref<!tpu.dma_semaphore, #tpu.memory_space<semaphore_mem>>)
    %dma_wait3A_269 = arith.constant 1 : i32
    %dma_wait3A_270 = arith.constant 0 : i32
    %dma_wait3A_271 = tpu.memref_slice %arg4[%dma_wait3A_269, %add3A_261, %dma_wait3A_270] : memref<5x16384x128xf32, #tpu.memory_space<hbm>> -> memref<1x128x128xf32, #tpu.memory_space<hbm>>
    %dma_wait3A_272 = tpu.memref_squeeze %dma_wait3A_271 : memref<1x128x128xf32, #tpu.memory_space<hbm>> -> memref<128x128xf32, #tpu.memory_space<hbm>>
    %dma_wait3A_273 = arith.constant 0 : i32
    %dma_wait3A_274 = tpu.memref_slice %arg4[%dma_wait3A_269, %add3A_261, %dma_wait3A_273] : memref<5x16384x128xf32, #tpu.memory_space<hbm>> -> memref<1x128x128xf32, #tpu.memory_space<hbm>>
    %dma_wait3A_275 = tpu.memref_squeeze %dma_wait3A_274 : memref<1x128x128xf32, #tpu.memory_space<hbm>> -> memref<128x128xf32, #tpu.memory_space<hbm>>
    tpu.wait_dma2 semaphore(%arg19 : memref<!tpu.dma_semaphore, #tpu.memory_space<semaphore_mem>>) src(%arg7 : memref<128x128xf32, #tpu.memory_space<vmem>>) dst(%dma_wait3A_275 : memref<128x128xf32, #tpu.memory_space<hbm>>)
    %dma_start3A_276 = arith.constant 13 : i32
    %dma_start3A_277 = arith.constant 0 : i32
    %dma_start3A_278 = tpu.memref_slice %arg5[%dma_start3A_276, %dma_start3A_277] : memref<20x128xi32, #tpu.memory_space<vmem>> -> memref<1x128xi32, #tpu.memory_space<vmem>>
    %dma_start3A_279 = tpu.memref_squeeze %dma_start3A_278 : memref<1x128xi32, #tpu.memory_space<vmem>> -> memref<128xi32, #tpu.memory_space<vmem>>
    %dma_start3A_280 = arith.constant 0 : i32
    %dma_start3A_281 = arith.constant 0 : i32
    %dma_start3A_282 = tpu.memref_slice %arg3[%dma_start3A_280, %dma_start3A_281] : memref<100001x128xf32, #tpu.memory_space<hbm>> -> memref<100001x128xf32, #tpu.memory_space<hbm>>
    tpu.enqueue_indirect_dma source(%dma_start3A_282 : memref<100001x128xf32, #tpu.memory_space<hbm>>) target(%arg7 : memref<128x128xf32, #tpu.memory_space<vmem>>) offsets(%dma_start3A_279 : memref<128xi32, #tpu.memory_space<vmem>>) semaphore(%arg13 : memref<!tpu.dma_semaphore, #tpu.memory_space<semaphore_mem>>)
    %dma_wait3A_283 = arith.constant 8 : i32
    %dma_wait3A_284 = arith.constant 0 : i32
    %dma_wait3A_285 = tpu.memref_slice %arg5[%dma_wait3A_283, %dma_wait3A_284] : memref<20x128xi32, #tpu.memory_space<vmem>> -> memref<1x128xi32, #tpu.memory_space<vmem>>
    %dma_wait3A_286 = tpu.memref_squeeze %dma_wait3A_285 : memref<1x128xi32, #tpu.memory_space<vmem>> -> memref<128xi32, #tpu.memory_space<vmem>>
    %dma_wait3A_287 = arith.constant 0 : i32
    %dma_wait3A_288 = arith.constant 0 : i32
    %dma_wait3A_289 = tpu.memref_slice %arg3[%dma_wait3A_287, %dma_wait3A_288] : memref<100001x128xf32, #tpu.memory_space<hbm>> -> memref<100001x128xf32, #tpu.memory_space<hbm>>
    tpu.wait_indirect_dma semaphore(%arg14 : memref<!tpu.dma_semaphore, #tpu.memory_space<semaphore_mem>>) src(%dma_wait3A_289 : memref<100001x128xf32, #tpu.memory_space<hbm>>) dst(%arg8 : memref<128x128xf32, #tpu.memory_space<vmem>>)
    %add3A_290 = arith.constant 0 : i32
    %add3A_291 = arith.addi %mul3A_2, %add3A_290 : i32
    %dma_start3A_292 = arith.constant 2 : i32
    %dma_start3A_293 = arith.constant 0 : i32
    %dma_start3A_294 = tpu.memref_slice %arg4[%dma_start3A_292, %add3A_291, %dma_start3A_293] : memref<5x16384x128xf32, #tpu.memory_space<hbm>> -> memref<1x128x128xf32, #tpu.memory_space<hbm>>
    %dma_start3A_295 = tpu.memref_squeeze %dma_start3A_294 : memref<1x128x128xf32, #tpu.memory_space<hbm>> -> memref<128x128xf32, #tpu.memory_space<hbm>>
    %dma_start3A_296 = arith.constant 0 : i32
    %dma_start3A_297 = tpu.memref_slice %arg4[%dma_start3A_292, %add3A_291, %dma_start3A_296] : memref<5x16384x128xf32, #tpu.memory_space<hbm>> -> memref<1x128x128xf32, #tpu.memory_space<hbm>>
    %dma_start3A_298 = tpu.memref_squeeze %dma_start3A_297 : memref<1x128x128xf32, #tpu.memory_space<hbm>> -> memref<128x128xf32, #tpu.memory_space<hbm>>
    tpu.enqueue_dma source(%arg8 : memref<128x128xf32, #tpu.memory_space<vmem>>) target(%dma_start3A_298 : memref<128x128xf32, #tpu.memory_space<hbm>>) target_semaphore(%arg20 : memref<!tpu.dma_semaphore, #tpu.memory_space<semaphore_mem>>)
    %dma_wait3A_299 = arith.constant 2 : i32
    %dma_wait3A_300 = arith.constant 0 : i32
    %dma_wait3A_301 = tpu.memref_slice %arg4[%dma_wait3A_299, %add3A_291, %dma_wait3A_300] : memref<5x16384x128xf32, #tpu.memory_space<hbm>> -> memref<1x128x128xf32, #tpu.memory_space<hbm>>
    %dma_wait3A_302 = tpu.memref_squeeze %dma_wait3A_301 : memref<1x128x128xf32, #tpu.memory_space<hbm>> -> memref<128x128xf32, #tpu.memory_space<hbm>>
    %dma_wait3A_303 = arith.constant 0 : i32
    %dma_wait3A_304 = tpu.memref_slice %arg4[%dma_wait3A_299, %add3A_291, %dma_wait3A_303] : memref<5x16384x128xf32, #tpu.memory_space<hbm>> -> memref<1x128x128xf32, #tpu.memory_space<hbm>>
    %dma_wait3A_305 = tpu.memref_squeeze %dma_wait3A_304 : memref<1x128x128xf32, #tpu.memory_space<hbm>> -> memref<128x128xf32, #tpu.memory_space<hbm>>
    tpu.wait_dma2 semaphore(%arg20 : memref<!tpu.dma_semaphore, #tpu.memory_space<semaphore_mem>>) src(%arg8 : memref<128x128xf32, #tpu.memory_space<vmem>>) dst(%dma_wait3A_305 : memref<128x128xf32, #tpu.memory_space<hbm>>)
    %dma_start3A_306 = arith.constant 14 : i32
    %dma_start3A_307 = arith.constant 0 : i32
    %dma_start3A_308 = tpu.memref_slice %arg5[%dma_start3A_306, %dma_start3A_307] : memref<20x128xi32, #tpu.memory_space<vmem>> -> memref<1x128xi32, #tpu.memory_space<vmem>>
    %dma_start3A_309 = tpu.memref_squeeze %dma_start3A_308 : memref<1x128xi32, #tpu.memory_space<vmem>> -> memref<128xi32, #tpu.memory_space<vmem>>
    %dma_start3A_310 = arith.constant 0 : i32
    %dma_start3A_311 = arith.constant 0 : i32
    %dma_start3A_312 = tpu.memref_slice %arg3[%dma_start3A_310, %dma_start3A_311] : memref<100001x128xf32, #tpu.memory_space<hbm>> -> memref<100001x128xf32, #tpu.memory_space<hbm>>
    tpu.enqueue_indirect_dma source(%dma_start3A_312 : memref<100001x128xf32, #tpu.memory_space<hbm>>) target(%arg8 : memref<128x128xf32, #tpu.memory_space<vmem>>) offsets(%dma_start3A_309 : memref<128xi32, #tpu.memory_space<vmem>>) semaphore(%arg14 : memref<!tpu.dma_semaphore, #tpu.memory_space<semaphore_mem>>)
    %dma_wait3A_313 = arith.constant 9 : i32
    %dma_wait3A_314 = arith.constant 0 : i32
    %dma_wait3A_315 = tpu.memref_slice %arg5[%dma_wait3A_313, %dma_wait3A_314] : memref<20x128xi32, #tpu.memory_space<vmem>> -> memref<1x128xi32, #tpu.memory_space<vmem>>
    %dma_wait3A_316 = tpu.memref_squeeze %dma_wait3A_315 : memref<1x128xi32, #tpu.memory_space<vmem>> -> memref<128xi32, #tpu.memory_space<vmem>>
    %dma_wait3A_317 = arith.constant 0 : i32
    %dma_wait3A_318 = arith.constant 0 : i32
    %dma_wait3A_319 = tpu.memref_slice %arg3[%dma_wait3A_317, %dma_wait3A_318] : memref<100001x128xf32, #tpu.memory_space<hbm>> -> memref<100001x128xf32, #tpu.memory_space<hbm>>
    tpu.wait_indirect_dma semaphore(%arg15 : memref<!tpu.dma_semaphore, #tpu.memory_space<semaphore_mem>>) src(%dma_wait3A_319 : memref<100001x128xf32, #tpu.memory_space<hbm>>) dst(%arg9 : memref<128x128xf32, #tpu.memory_space<vmem>>)
    %add3A_320 = arith.constant 128 : i32
    %add3A_321 = arith.addi %mul3A_2, %add3A_320 : i32
    %dma_start3A_322 = arith.constant 2 : i32
    %dma_start3A_323 = arith.constant 0 : i32
    %dma_start3A_324 = tpu.memref_slice %arg4[%dma_start3A_322, %add3A_321, %dma_start3A_323] : memref<5x16384x128xf32, #tpu.memory_space<hbm>> -> memref<1x128x128xf32, #tpu.memory_space<hbm>>
    %dma_start3A_325 = tpu.memref_squeeze %dma_start3A_324 : memref<1x128x128xf32, #tpu.memory_space<hbm>> -> memref<128x128xf32, #tpu.memory_space<hbm>>
    %dma_start3A_326 = arith.constant 0 : i32
    %dma_start3A_327 = tpu.memref_slice %arg4[%dma_start3A_322, %add3A_321, %dma_start3A_326] : memref<5x16384x128xf32, #tpu.memory_space<hbm>> -> memref<1x128x128xf32, #tpu.memory_space<hbm>>
    %dma_start3A_328 = tpu.memref_squeeze %dma_start3A_327 : memref<1x128x128xf32, #tpu.memory_space<hbm>> -> memref<128x128xf32, #tpu.memory_space<hbm>>
    tpu.enqueue_dma source(%arg9 : memref<128x128xf32, #tpu.memory_space<vmem>>) target(%dma_start3A_328 : memref<128x128xf32, #tpu.memory_space<hbm>>) target_semaphore(%arg21 : memref<!tpu.dma_semaphore, #tpu.memory_space<semaphore_mem>>)
    %dma_wait3A_329 = arith.constant 2 : i32
    %dma_wait3A_330 = arith.constant 0 : i32
    %dma_wait3A_331 = tpu.memref_slice %arg4[%dma_wait3A_329, %add3A_321, %dma_wait3A_330] : memref<5x16384x128xf32, #tpu.memory_space<hbm>> -> memref<1x128x128xf32, #tpu.memory_space<hbm>>
    %dma_wait3A_332 = tpu.memref_squeeze %dma_wait3A_331 : memref<1x128x128xf32, #tpu.memory_space<hbm>> -> memref<128x128xf32, #tpu.memory_space<hbm>>
    %dma_wait3A_333 = arith.constant 0 : i32
    %dma_wait3A_334 = tpu.memref_slice %arg4[%dma_wait3A_329, %add3A_321, %dma_wait3A_333] : memref<5x16384x128xf32, #tpu.memory_space<hbm>> -> memref<1x128x128xf32, #tpu.memory_space<hbm>>
    %dma_wait3A_335 = tpu.memref_squeeze %dma_wait3A_334 : memref<1x128x128xf32, #tpu.memory_space<hbm>> -> memref<128x128xf32, #tpu.memory_space<hbm>>
    tpu.wait_dma2 semaphore(%arg21 : memref<!tpu.dma_semaphore, #tpu.memory_space<semaphore_mem>>) src(%arg9 : memref<128x128xf32, #tpu.memory_space<vmem>>) dst(%dma_wait3A_335 : memref<128x128xf32, #tpu.memory_space<hbm>>)
    %dma_start3A_336 = arith.constant 15 : i32
    %dma_start3A_337 = arith.constant 0 : i32
    %dma_start3A_338 = tpu.memref_slice %arg5[%dma_start3A_336, %dma_start3A_337] : memref<20x128xi32, #tpu.memory_space<vmem>> -> memref<1x128xi32, #tpu.memory_space<vmem>>
    %dma_start3A_339 = tpu.memref_squeeze %dma_start3A_338 : memref<1x128xi32, #tpu.memory_space<vmem>> -> memref<128xi32, #tpu.memory_space<vmem>>
    %dma_start3A_340 = arith.constant 0 : i32
    %dma_start3A_341 = arith.constant 0 : i32
    %dma_start3A_342 = tpu.memref_slice %arg3[%dma_start3A_340, %dma_start3A_341] : memref<100001x128xf32, #tpu.memory_space<hbm>> -> memref<100001x128xf32, #tpu.memory_space<hbm>>
    tpu.enqueue_indirect_dma source(%dma_start3A_342 : memref<100001x128xf32, #tpu.memory_space<hbm>>) target(%arg9 : memref<128x128xf32, #tpu.memory_space<vmem>>) offsets(%dma_start3A_339 : memref<128xi32, #tpu.memory_space<vmem>>) semaphore(%arg15 : memref<!tpu.dma_semaphore, #tpu.memory_space<semaphore_mem>>)
    %dma_wait3A_343 = arith.constant 10 : i32
    %dma_wait3A_344 = arith.constant 0 : i32
    %dma_wait3A_345 = tpu.memref_slice %arg5[%dma_wait3A_343, %dma_wait3A_344] : memref<20x128xi32, #tpu.memory_space<vmem>> -> memref<1x128xi32, #tpu.memory_space<vmem>>
    %dma_wait3A_346 = tpu.memref_squeeze %dma_wait3A_345 : memref<1x128xi32, #tpu.memory_space<vmem>> -> memref<128xi32, #tpu.memory_space<vmem>>
    %dma_wait3A_347 = arith.constant 0 : i32
    %dma_wait3A_348 = arith.constant 0 : i32
    %dma_wait3A_349 = tpu.memref_slice %arg3[%dma_wait3A_347, %dma_wait3A_348] : memref<100001x128xf32, #tpu.memory_space<hbm>> -> memref<100001x128xf32, #tpu.memory_space<hbm>>
    tpu.wait_indirect_dma semaphore(%arg16 : memref<!tpu.dma_semaphore, #tpu.memory_space<semaphore_mem>>) src(%dma_wait3A_349 : memref<100001x128xf32, #tpu.memory_space<hbm>>) dst(%arg10 : memref<128x128xf32, #tpu.memory_space<vmem>>)
    %add3A_350 = arith.constant 256 : i32
    %add3A_351 = arith.addi %mul3A_2, %add3A_350 : i32
    %dma_start3A_352 = arith.constant 2 : i32
    %dma_start3A_353 = arith.constant 0 : i32
    %dma_start3A_354 = tpu.memref_slice %arg4[%dma_start3A_352, %add3A_351, %dma_start3A_353] : memref<5x16384x128xf32, #tpu.memory_space<hbm>> -> memref<1x128x128xf32, #tpu.memory_space<hbm>>
    %dma_start3A_355 = tpu.memref_squeeze %dma_start3A_354 : memref<1x128x128xf32, #tpu.memory_space<hbm>> -> memref<128x128xf32, #tpu.memory_space<hbm>>
    %dma_start3A_356 = arith.constant 0 : i32
    %dma_start3A_357 = tpu.memref_slice %arg4[%dma_start3A_352, %add3A_351, %dma_start3A_356] : memref<5x16384x128xf32, #tpu.memory_space<hbm>> -> memref<1x128x128xf32, #tpu.memory_space<hbm>>
    %dma_start3A_358 = tpu.memref_squeeze %dma_start3A_357 : memref<1x128x128xf32, #tpu.memory_space<hbm>> -> memref<128x128xf32, #tpu.memory_space<hbm>>
    tpu.enqueue_dma source(%arg10 : memref<128x128xf32, #tpu.memory_space<vmem>>) target(%dma_start3A_358 : memref<128x128xf32, #tpu.memory_space<hbm>>) target_semaphore(%arg22 : memref<!tpu.dma_semaphore, #tpu.memory_space<semaphore_mem>>)
    %dma_wait3A_359 = arith.constant 2 : i32
    %dma_wait3A_360 = arith.constant 0 : i32
    %dma_wait3A_361 = tpu.memref_slice %arg4[%dma_wait3A_359, %add3A_351, %dma_wait3A_360] : memref<5x16384x128xf32, #tpu.memory_space<hbm>> -> memref<1x128x128xf32, #tpu.memory_space<hbm>>
    %dma_wait3A_362 = tpu.memref_squeeze %dma_wait3A_361 : memref<1x128x128xf32, #tpu.memory_space<hbm>> -> memref<128x128xf32, #tpu.memory_space<hbm>>
    %dma_wait3A_363 = arith.constant 0 : i32
    %dma_wait3A_364 = tpu.memref_slice %arg4[%dma_wait3A_359, %add3A_351, %dma_wait3A_363] : memref<5x16384x128xf32, #tpu.memory_space<hbm>> -> memref<1x128x128xf32, #tpu.memory_space<hbm>>
    %dma_wait3A_365 = tpu.memref_squeeze %dma_wait3A_364 : memref<1x128x128xf32, #tpu.memory_space<hbm>> -> memref<128x128xf32, #tpu.memory_space<hbm>>
    tpu.wait_dma2 semaphore(%arg22 : memref<!tpu.dma_semaphore, #tpu.memory_space<semaphore_mem>>) src(%arg10 : memref<128x128xf32, #tpu.memory_space<vmem>>) dst(%dma_wait3A_365 : memref<128x128xf32, #tpu.memory_space<hbm>>)
    %dma_start3A_366 = arith.constant 16 : i32
    %dma_start3A_367 = arith.constant 0 : i32
    %dma_start3A_368 = tpu.memref_slice %arg5[%dma_start3A_366, %dma_start3A_367] : memref<20x128xi32, #tpu.memory_space<vmem>> -> memref<1x128xi32, #tpu.memory_space<vmem>>
    %dma_start3A_369 = tpu.memref_squeeze %dma_start3A_368 : memref<1x128xi32, #tpu.memory_space<vmem>> -> memref<128xi32, #tpu.memory_space<vmem>>
    %dma_start3A_370 = arith.constant 0 : i32
    %dma_start3A_371 = arith.constant 0 : i32
    %dma_start3A_372 = tpu.memref_slice %arg3[%dma_start3A_370, %dma_start3A_371] : memref<100001x128xf32, #tpu.memory_space<hbm>> -> memref<100001x128xf32, #tpu.memory_space<hbm>>
    tpu.enqueue_indirect_dma source(%dma_start3A_372 : memref<100001x128xf32, #tpu.memory_space<hbm>>) target(%arg10 : memref<128x128xf32, #tpu.memory_space<vmem>>) offsets(%dma_start3A_369 : memref<128xi32, #tpu.memory_space<vmem>>) semaphore(%arg16 : memref<!tpu.dma_semaphore, #tpu.memory_space<semaphore_mem>>)
    %dma_wait3A_373 = arith.constant 11 : i32
    %dma_wait3A_374 = arith.constant 0 : i32
    %dma_wait3A_375 = tpu.memref_slice %arg5[%dma_wait3A_373, %dma_wait3A_374] : memref<20x128xi32, #tpu.memory_space<vmem>> -> memref<1x128xi32, #tpu.memory_space<vmem>>
    %dma_wait3A_376 = tpu.memref_squeeze %dma_wait3A_375 : memref<1x128xi32, #tpu.memory_space<vmem>> -> memref<128xi32, #tpu.memory_space<vmem>>
    %dma_wait3A_377 = arith.constant 0 : i32
    %dma_wait3A_378 = arith.constant 0 : i32
    %dma_wait3A_379 = tpu.memref_slice %arg3[%dma_wait3A_377, %dma_wait3A_378] : memref<100001x128xf32, #tpu.memory_space<hbm>> -> memref<100001x128xf32, #tpu.memory_space<hbm>>
    tpu.wait_indirect_dma semaphore(%arg17 : memref<!tpu.dma_semaphore, #tpu.memory_space<semaphore_mem>>) src(%dma_wait3A_379 : memref<100001x128xf32, #tpu.memory_space<hbm>>) dst(%arg11 : memref<128x128xf32, #tpu.memory_space<vmem>>)
    %add3A_380 = arith.constant 384 : i32
    %add3A_381 = arith.addi %mul3A_2, %add3A_380 : i32
    %dma_start3A_382 = arith.constant 2 : i32
    %dma_start3A_383 = arith.constant 0 : i32
    %dma_start3A_384 = tpu.memref_slice %arg4[%dma_start3A_382, %add3A_381, %dma_start3A_383] : memref<5x16384x128xf32, #tpu.memory_space<hbm>> -> memref<1x128x128xf32, #tpu.memory_space<hbm>>
    %dma_start3A_385 = tpu.memref_squeeze %dma_start3A_384 : memref<1x128x128xf32, #tpu.memory_space<hbm>> -> memref<128x128xf32, #tpu.memory_space<hbm>>
    %dma_start3A_386 = arith.constant 0 : i32
    %dma_start3A_387 = tpu.memref_slice %arg4[%dma_start3A_382, %add3A_381, %dma_start3A_386] : memref<5x16384x128xf32, #tpu.memory_space<hbm>> -> memref<1x128x128xf32, #tpu.memory_space<hbm>>
    %dma_start3A_388 = tpu.memref_squeeze %dma_start3A_387 : memref<1x128x128xf32, #tpu.memory_space<hbm>> -> memref<128x128xf32, #tpu.memory_space<hbm>>
    tpu.enqueue_dma source(%arg11 : memref<128x128xf32, #tpu.memory_space<vmem>>) target(%dma_start3A_388 : memref<128x128xf32, #tpu.memory_space<hbm>>) target_semaphore(%arg23 : memref<!tpu.dma_semaphore, #tpu.memory_space<semaphore_mem>>)
    %dma_wait3A_389 = arith.constant 2 : i32
    %dma_wait3A_390 = arith.constant 0 : i32
    %dma_wait3A_391 = tpu.memref_slice %arg4[%dma_wait3A_389, %add3A_381, %dma_wait3A_390] : memref<5x16384x128xf32, #tpu.memory_space<hbm>> -> memref<1x128x128xf32, #tpu.memory_space<hbm>>
    %dma_wait3A_392 = tpu.memref_squeeze %dma_wait3A_391 : memref<1x128x128xf32, #tpu.memory_space<hbm>> -> memref<128x128xf32, #tpu.memory_space<hbm>>
    %dma_wait3A_393 = arith.constant 0 : i32
    %dma_wait3A_394 = tpu.memref_slice %arg4[%dma_wait3A_389, %add3A_381, %dma_wait3A_393] : memref<5x16384x128xf32, #tpu.memory_space<hbm>> -> memref<1x128x128xf32, #tpu.memory_space<hbm>>
    %dma_wait3A_395 = tpu.memref_squeeze %dma_wait3A_394 : memref<1x128x128xf32, #tpu.memory_space<hbm>> -> memref<128x128xf32, #tpu.memory_space<hbm>>
    tpu.wait_dma2 semaphore(%arg23 : memref<!tpu.dma_semaphore, #tpu.memory_space<semaphore_mem>>) src(%arg11 : memref<128x128xf32, #tpu.memory_space<vmem>>) dst(%dma_wait3A_395 : memref<128x128xf32, #tpu.memory_space<hbm>>)
    %dma_start3A_396 = arith.constant 17 : i32
    %dma_start3A_397 = arith.constant 0 : i32
    %dma_start3A_398 = tpu.memref_slice %arg5[%dma_start3A_396, %dma_start3A_397] : memref<20x128xi32, #tpu.memory_space<vmem>> -> memref<1x128xi32, #tpu.memory_space<vmem>>
    %dma_start3A_399 = tpu.memref_squeeze %dma_start3A_398 : memref<1x128xi32, #tpu.memory_space<vmem>> -> memref<128xi32, #tpu.memory_space<vmem>>
    %dma_start3A_400 = arith.constant 0 : i32
    %dma_start3A_401 = arith.constant 0 : i32
    %dma_start3A_402 = tpu.memref_slice %arg3[%dma_start3A_400, %dma_start3A_401] : memref<100001x128xf32, #tpu.memory_space<hbm>> -> memref<100001x128xf32, #tpu.memory_space<hbm>>
    tpu.enqueue_indirect_dma source(%dma_start3A_402 : memref<100001x128xf32, #tpu.memory_space<hbm>>) target(%arg11 : memref<128x128xf32, #tpu.memory_space<vmem>>) offsets(%dma_start3A_399 : memref<128xi32, #tpu.memory_space<vmem>>) semaphore(%arg17 : memref<!tpu.dma_semaphore, #tpu.memory_space<semaphore_mem>>)
    %dma_wait3A_403 = arith.constant 12 : i32
    %dma_wait3A_404 = arith.constant 0 : i32
    %dma_wait3A_405 = tpu.memref_slice %arg5[%dma_wait3A_403, %dma_wait3A_404] : memref<20x128xi32, #tpu.memory_space<vmem>> -> memref<1x128xi32, #tpu.memory_space<vmem>>
    %dma_wait3A_406 = tpu.memref_squeeze %dma_wait3A_405 : memref<1x128xi32, #tpu.memory_space<vmem>> -> memref<128xi32, #tpu.memory_space<vmem>>
    %dma_wait3A_407 = arith.constant 0 : i32
    %dma_wait3A_408 = arith.constant 0 : i32
    %dma_wait3A_409 = tpu.memref_slice %arg3[%dma_wait3A_407, %dma_wait3A_408] : memref<100001x128xf32, #tpu.memory_space<hbm>> -> memref<100001x128xf32, #tpu.memory_space<hbm>>
    tpu.wait_indirect_dma semaphore(%arg12 : memref<!tpu.dma_semaphore, #tpu.memory_space<semaphore_mem>>) src(%dma_wait3A_409 : memref<100001x128xf32, #tpu.memory_space<hbm>>) dst(%arg6 : memref<128x128xf32, #tpu.memory_space<vmem>>)
    %add3A_410 = arith.constant 0 : i32
    %add3A_411 = arith.addi %mul3A_2, %add3A_410 : i32
    %dma_start3A_412 = arith.constant 3 : i32
    %dma_start3A_413 = arith.constant 0 : i32
    %dma_start3A_414 = tpu.memref_slice %arg4[%dma_start3A_412, %add3A_411, %dma_start3A_413] : memref<5x16384x128xf32, #tpu.memory_space<hbm>> -> memref<1x128x128xf32, #tpu.memory_space<hbm>>
    %dma_start3A_415 = tpu.memref_squeeze %dma_start3A_414 : memref<1x128x128xf32, #tpu.memory_space<hbm>> -> memref<128x128xf32, #tpu.memory_space<hbm>>
    %dma_start3A_416 = arith.constant 0 : i32
    %dma_start3A_417 = tpu.memref_slice %arg4[%dma_start3A_412, %add3A_411, %dma_start3A_416] : memref<5x16384x128xf32, #tpu.memory_space<hbm>> -> memref<1x128x128xf32, #tpu.memory_space<hbm>>
    %dma_start3A_418 = tpu.memref_squeeze %dma_start3A_417 : memref<1x128x128xf32, #tpu.memory_space<hbm>> -> memref<128x128xf32, #tpu.memory_space<hbm>>
    tpu.enqueue_dma source(%arg6 : memref<128x128xf32, #tpu.memory_space<vmem>>) target(%dma_start3A_418 : memref<128x128xf32, #tpu.memory_space<hbm>>) target_semaphore(%arg18 : memref<!tpu.dma_semaphore, #tpu.memory_space<semaphore_mem>>)
    %dma_wait3A_419 = arith.constant 3 : i32
    %dma_wait3A_420 = arith.constant 0 : i32
    %dma_wait3A_421 = tpu.memref_slice %arg4[%dma_wait3A_419, %add3A_411, %dma_wait3A_420] : memref<5x16384x128xf32, #tpu.memory_space<hbm>> -> memref<1x128x128xf32, #tpu.memory_space<hbm>>
    %dma_wait3A_422 = tpu.memref_squeeze %dma_wait3A_421 : memref<1x128x128xf32, #tpu.memory_space<hbm>> -> memref<128x128xf32, #tpu.memory_space<hbm>>
    %dma_wait3A_423 = arith.constant 0 : i32
    %dma_wait3A_424 = tpu.memref_slice %arg4[%dma_wait3A_419, %add3A_411, %dma_wait3A_423] : memref<5x16384x128xf32, #tpu.memory_space<hbm>> -> memref<1x128x128xf32, #tpu.memory_space<hbm>>
    %dma_wait3A_425 = tpu.memref_squeeze %dma_wait3A_424 : memref<1x128x128xf32, #tpu.memory_space<hbm>> -> memref<128x128xf32, #tpu.memory_space<hbm>>
    tpu.wait_dma2 semaphore(%arg18 : memref<!tpu.dma_semaphore, #tpu.memory_space<semaphore_mem>>) src(%arg6 : memref<128x128xf32, #tpu.memory_space<vmem>>) dst(%dma_wait3A_425 : memref<128x128xf32, #tpu.memory_space<hbm>>)
    %dma_start3A_426 = arith.constant 18 : i32
    %dma_start3A_427 = arith.constant 0 : i32
    %dma_start3A_428 = tpu.memref_slice %arg5[%dma_start3A_426, %dma_start3A_427] : memref<20x128xi32, #tpu.memory_space<vmem>> -> memref<1x128xi32, #tpu.memory_space<vmem>>
    %dma_start3A_429 = tpu.memref_squeeze %dma_start3A_428 : memref<1x128xi32, #tpu.memory_space<vmem>> -> memref<128xi32, #tpu.memory_space<vmem>>
    %dma_start3A_430 = arith.constant 0 : i32
    %dma_start3A_431 = arith.constant 0 : i32
    %dma_start3A_432 = tpu.memref_slice %arg3[%dma_start3A_430, %dma_start3A_431] : memref<100001x128xf32, #tpu.memory_space<hbm>> -> memref<100001x128xf32, #tpu.memory_space<hbm>>
    tpu.enqueue_indirect_dma source(%dma_start3A_432 : memref<100001x128xf32, #tpu.memory_space<hbm>>) target(%arg6 : memref<128x128xf32, #tpu.memory_space<vmem>>) offsets(%dma_start3A_429 : memref<128xi32, #tpu.memory_space<vmem>>) semaphore(%arg12 : memref<!tpu.dma_semaphore, #tpu.memory_space<semaphore_mem>>)
    %dma_wait3A_433 = arith.constant 13 : i32
    %dma_wait3A_434 = arith.constant 0 : i32
    %dma_wait3A_435 = tpu.memref_slice %arg5[%dma_wait3A_433, %dma_wait3A_434] : memref<20x128xi32, #tpu.memory_space<vmem>> -> memref<1x128xi32, #tpu.memory_space<vmem>>
    %dma_wait3A_436 = tpu.memref_squeeze %dma_wait3A_435 : memref<1x128xi32, #tpu.memory_space<vmem>> -> memref<128xi32, #tpu.memory_space<vmem>>
    %dma_wait3A_437 = arith.constant 0 : i32
    %dma_wait3A_438 = arith.constant 0 : i32
    %dma_wait3A_439 = tpu.memref_slice %arg3[%dma_wait3A_437, %dma_wait3A_438] : memref<100001x128xf32, #tpu.memory_space<hbm>> -> memref<100001x128xf32, #tpu.memory_space<hbm>>
    tpu.wait_indirect_dma semaphore(%arg13 : memref<!tpu.dma_semaphore, #tpu.memory_space<semaphore_mem>>) src(%dma_wait3A_439 : memref<100001x128xf32, #tpu.memory_space<hbm>>) dst(%arg7 : memref<128x128xf32, #tpu.memory_space<vmem>>)
    %add3A_440 = arith.constant 128 : i32
    %add3A_441 = arith.addi %mul3A_2, %add3A_440 : i32
    %dma_start3A_442 = arith.constant 3 : i32
    %dma_start3A_443 = arith.constant 0 : i32
    %dma_start3A_444 = tpu.memref_slice %arg4[%dma_start3A_442, %add3A_441, %dma_start3A_443] : memref<5x16384x128xf32, #tpu.memory_space<hbm>> -> memref<1x128x128xf32, #tpu.memory_space<hbm>>
    %dma_start3A_445 = tpu.memref_squeeze %dma_start3A_444 : memref<1x128x128xf32, #tpu.memory_space<hbm>> -> memref<128x128xf32, #tpu.memory_space<hbm>>
    %dma_start3A_446 = arith.constant 0 : i32
    %dma_start3A_447 = tpu.memref_slice %arg4[%dma_start3A_442, %add3A_441, %dma_start3A_446] : memref<5x16384x128xf32, #tpu.memory_space<hbm>> -> memref<1x128x128xf32, #tpu.memory_space<hbm>>
    %dma_start3A_448 = tpu.memref_squeeze %dma_start3A_447 : memref<1x128x128xf32, #tpu.memory_space<hbm>> -> memref<128x128xf32, #tpu.memory_space<hbm>>
    tpu.enqueue_dma source(%arg7 : memref<128x128xf32, #tpu.memory_space<vmem>>) target(%dma_start3A_448 : memref<128x128xf32, #tpu.memory_space<hbm>>) target_semaphore(%arg19 : memref<!tpu.dma_semaphore, #tpu.memory_space<semaphore_mem>>)
    %dma_wait3A_449 = arith.constant 3 : i32
    %dma_wait3A_450 = arith.constant 0 : i32
    %dma_wait3A_451 = tpu.memref_slice %arg4[%dma_wait3A_449, %add3A_441, %dma_wait3A_450] : memref<5x16384x128xf32, #tpu.memory_space<hbm>> -> memref<1x128x128xf32, #tpu.memory_space<hbm>>
    %dma_wait3A_452 = tpu.memref_squeeze %dma_wait3A_451 : memref<1x128x128xf32, #tpu.memory_space<hbm>> -> memref<128x128xf32, #tpu.memory_space<hbm>>
    %dma_wait3A_453 = arith.constant 0 : i32
    %dma_wait3A_454 = tpu.memref_slice %arg4[%dma_wait3A_449, %add3A_441, %dma_wait3A_453] : memref<5x16384x128xf32, #tpu.memory_space<hbm>> -> memref<1x128x128xf32, #tpu.memory_space<hbm>>
    %dma_wait3A_455 = tpu.memref_squeeze %dma_wait3A_454 : memref<1x128x128xf32, #tpu.memory_space<hbm>> -> memref<128x128xf32, #tpu.memory_space<hbm>>
    tpu.wait_dma2 semaphore(%arg19 : memref<!tpu.dma_semaphore, #tpu.memory_space<semaphore_mem>>) src(%arg7 : memref<128x128xf32, #tpu.memory_space<vmem>>) dst(%dma_wait3A_455 : memref<128x128xf32, #tpu.memory_space<hbm>>)
    %dma_start3A_456 = arith.constant 19 : i32
    %dma_start3A_457 = arith.constant 0 : i32
    %dma_start3A_458 = tpu.memref_slice %arg5[%dma_start3A_456, %dma_start3A_457] : memref<20x128xi32, #tpu.memory_space<vmem>> -> memref<1x128xi32, #tpu.memory_space<vmem>>
    %dma_start3A_459 = tpu.memref_squeeze %dma_start3A_458 : memref<1x128xi32, #tpu.memory_space<vmem>> -> memref<128xi32, #tpu.memory_space<vmem>>
    %dma_start3A_460 = arith.constant 0 : i32
    %dma_start3A_461 = arith.constant 0 : i32
    %dma_start3A_462 = tpu.memref_slice %arg3[%dma_start3A_460, %dma_start3A_461] : memref<100001x128xf32, #tpu.memory_space<hbm>> -> memref<100001x128xf32, #tpu.memory_space<hbm>>
    tpu.enqueue_indirect_dma source(%dma_start3A_462 : memref<100001x128xf32, #tpu.memory_space<hbm>>) target(%arg7 : memref<128x128xf32, #tpu.memory_space<vmem>>) offsets(%dma_start3A_459 : memref<128xi32, #tpu.memory_space<vmem>>) semaphore(%arg13 : memref<!tpu.dma_semaphore, #tpu.memory_space<semaphore_mem>>)
    %dma_wait3A_463 = arith.constant 14 : i32
    %dma_wait3A_464 = arith.constant 0 : i32
    %dma_wait3A_465 = tpu.memref_slice %arg5[%dma_wait3A_463, %dma_wait3A_464] : memref<20x128xi32, #tpu.memory_space<vmem>> -> memref<1x128xi32, #tpu.memory_space<vmem>>
    %dma_wait3A_466 = tpu.memref_squeeze %dma_wait3A_465 : memref<1x128xi32, #tpu.memory_space<vmem>> -> memref<128xi32, #tpu.memory_space<vmem>>
    %dma_wait3A_467 = arith.constant 0 : i32
    %dma_wait3A_468 = arith.constant 0 : i32
    %dma_wait3A_469 = tpu.memref_slice %arg3[%dma_wait3A_467, %dma_wait3A_468] : memref<100001x128xf32, #tpu.memory_space<hbm>> -> memref<100001x128xf32, #tpu.memory_space<hbm>>
    tpu.wait_indirect_dma semaphore(%arg14 : memref<!tpu.dma_semaphore, #tpu.memory_space<semaphore_mem>>) src(%dma_wait3A_469 : memref<100001x128xf32, #tpu.memory_space<hbm>>) dst(%arg8 : memref<128x128xf32, #tpu.memory_space<vmem>>)
    %add3A_470 = arith.constant 256 : i32
    %add3A_471 = arith.addi %mul3A_2, %add3A_470 : i32
    %dma_start3A_472 = arith.constant 3 : i32
    %dma_start3A_473 = arith.constant 0 : i32
    %dma_start3A_474 = tpu.memref_slice %arg4[%dma_start3A_472, %add3A_471, %dma_start3A_473] : memref<5x16384x128xf32, #tpu.memory_space<hbm>> -> memref<1x128x128xf32, #tpu.memory_space<hbm>>
    %dma_start3A_475 = tpu.memref_squeeze %dma_start3A_474 : memref<1x128x128xf32, #tpu.memory_space<hbm>> -> memref<128x128xf32, #tpu.memory_space<hbm>>
    %dma_start3A_476 = arith.constant 0 : i32
    %dma_start3A_477 = tpu.memref_slice %arg4[%dma_start3A_472, %add3A_471, %dma_start3A_476] : memref<5x16384x128xf32, #tpu.memory_space<hbm>> -> memref<1x128x128xf32, #tpu.memory_space<hbm>>
    %dma_start3A_478 = tpu.memref_squeeze %dma_start3A_477 : memref<1x128x128xf32, #tpu.memory_space<hbm>> -> memref<128x128xf32, #tpu.memory_space<hbm>>
    tpu.enqueue_dma source(%arg8 : memref<128x128xf32, #tpu.memory_space<vmem>>) target(%dma_start3A_478 : memref<128x128xf32, #tpu.memory_space<hbm>>) target_semaphore(%arg20 : memref<!tpu.dma_semaphore, #tpu.memory_space<semaphore_mem>>)
    %dma_wait3A_479 = arith.constant 15 : i32
    %dma_wait3A_480 = arith.constant 0 : i32
    %dma_wait3A_481 = tpu.memref_slice %arg5[%dma_wait3A_479, %dma_wait3A_480] : memref<20x128xi32, #tpu.memory_space<vmem>> -> memref<1x128xi32, #tpu.memory_space<vmem>>
    %dma_wait3A_482 = tpu.memref_squeeze %dma_wait3A_481 : memref<1x128xi32, #tpu.memory_space<vmem>> -> memref<128xi32, #tpu.memory_space<vmem>>
    %dma_wait3A_483 = arith.constant 0 : i32
    %dma_wait3A_484 = arith.constant 0 : i32
    %dma_wait3A_485 = tpu.memref_slice %arg3[%dma_wait3A_483, %dma_wait3A_484] : memref<100001x128xf32, #tpu.memory_space<hbm>> -> memref<100001x128xf32, #tpu.memory_space<hbm>>
    tpu.wait_indirect_dma semaphore(%arg15 : memref<!tpu.dma_semaphore, #tpu.memory_space<semaphore_mem>>) src(%dma_wait3A_485 : memref<100001x128xf32, #tpu.memory_space<hbm>>) dst(%arg9 : memref<128x128xf32, #tpu.memory_space<vmem>>)
    %add3A_486 = arith.constant 384 : i32
    %add3A_487 = arith.addi %mul3A_2, %add3A_486 : i32
    %dma_start3A_488 = arith.constant 3 : i32
    %dma_start3A_489 = arith.constant 0 : i32
    %dma_start3A_490 = tpu.memref_slice %arg4[%dma_start3A_488, %add3A_487, %dma_start3A_489] : memref<5x16384x128xf32, #tpu.memory_space<hbm>> -> memref<1x128x128xf32, #tpu.memory_space<hbm>>
    %dma_start3A_491 = tpu.memref_squeeze %dma_start3A_490 : memref<1x128x128xf32, #tpu.memory_space<hbm>> -> memref<128x128xf32, #tpu.memory_space<hbm>>
    %dma_start3A_492 = arith.constant 0 : i32
    %dma_start3A_493 = tpu.memref_slice %arg4[%dma_start3A_488, %add3A_487, %dma_start3A_492] : memref<5x16384x128xf32, #tpu.memory_space<hbm>> -> memref<1x128x128xf32, #tpu.memory_space<hbm>>
    %dma_start3A_494 = tpu.memref_squeeze %dma_start3A_493 : memref<1x128x128xf32, #tpu.memory_space<hbm>> -> memref<128x128xf32, #tpu.memory_space<hbm>>
    tpu.enqueue_dma source(%arg9 : memref<128x128xf32, #tpu.memory_space<vmem>>) target(%dma_start3A_494 : memref<128x128xf32, #tpu.memory_space<hbm>>) target_semaphore(%arg21 : memref<!tpu.dma_semaphore, #tpu.memory_space<semaphore_mem>>)
    %dma_wait3A_495 = arith.constant 16 : i32
    %dma_wait3A_496 = arith.constant 0 : i32
    %dma_wait3A_497 = tpu.memref_slice %arg5[%dma_wait3A_495, %dma_wait3A_496] : memref<20x128xi32, #tpu.memory_space<vmem>> -> memref<1x128xi32, #tpu.memory_space<vmem>>
    %dma_wait3A_498 = tpu.memref_squeeze %dma_wait3A_497 : memref<1x128xi32, #tpu.memory_space<vmem>> -> memref<128xi32, #tpu.memory_space<vmem>>
    %dma_wait3A_499 = arith.constant 0 : i32
    %dma_wait3A_500 = arith.constant 0 : i32
    %dma_wait3A_501 = tpu.memref_slice %arg3[%dma_wait3A_499, %dma_wait3A_500] : memref<100001x128xf32, #tpu.memory_space<hbm>> -> memref<100001x128xf32, #tpu.memory_space<hbm>>
    tpu.wait_indirect_dma semaphore(%arg16 : memref<!tpu.dma_semaphore, #tpu.memory_space<semaphore_mem>>) src(%dma_wait3A_501 : memref<100001x128xf32, #tpu.memory_space<hbm>>) dst(%arg10 : memref<128x128xf32, #tpu.memory_space<vmem>>)
    %add3A_502 = arith.constant 0 : i32
    %add3A_503 = arith.addi %mul3A_2, %add3A_502 : i32
    %dma_start3A_504 = arith.constant 4 : i32
    %dma_start3A_505 = arith.constant 0 : i32
    %dma_start3A_506 = tpu.memref_slice %arg4[%dma_start3A_504, %add3A_503, %dma_start3A_505] : memref<5x16384x128xf32, #tpu.memory_space<hbm>> -> memref<1x128x128xf32, #tpu.memory_space<hbm>>
    %dma_start3A_507 = tpu.memref_squeeze %dma_start3A_506 : memref<1x128x128xf32, #tpu.memory_space<hbm>> -> memref<128x128xf32, #tpu.memory_space<hbm>>
    %dma_start3A_508 = arith.constant 0 : i32
    %dma_start3A_509 = tpu.memref_slice %arg4[%dma_start3A_504, %add3A_503, %dma_start3A_508] : memref<5x16384x128xf32, #tpu.memory_space<hbm>> -> memref<1x128x128xf32, #tpu.memory_space<hbm>>
    %dma_start3A_510 = tpu.memref_squeeze %dma_start3A_509 : memref<1x128x128xf32, #tpu.memory_space<hbm>> -> memref<128x128xf32, #tpu.memory_space<hbm>>
    tpu.enqueue_dma source(%arg10 : memref<128x128xf32, #tpu.memory_space<vmem>>) target(%dma_start3A_510 : memref<128x128xf32, #tpu.memory_space<hbm>>) target_semaphore(%arg22 : memref<!tpu.dma_semaphore, #tpu.memory_space<semaphore_mem>>)
    %dma_wait3A_511 = arith.constant 17 : i32
    %dma_wait3A_512 = arith.constant 0 : i32
    %dma_wait3A_513 = tpu.memref_slice %arg5[%dma_wait3A_511, %dma_wait3A_512] : memref<20x128xi32, #tpu.memory_space<vmem>> -> memref<1x128xi32, #tpu.memory_space<vmem>>
    %dma_wait3A_514 = tpu.memref_squeeze %dma_wait3A_513 : memref<1x128xi32, #tpu.memory_space<vmem>> -> memref<128xi32, #tpu.memory_space<vmem>>
    %dma_wait3A_515 = arith.constant 0 : i32
    %dma_wait3A_516 = arith.constant 0 : i32
    %dma_wait3A_517 = tpu.memref_slice %arg3[%dma_wait3A_515, %dma_wait3A_516] : memref<100001x128xf32, #tpu.memory_space<hbm>> -> memref<100001x128xf32, #tpu.memory_space<hbm>>
    tpu.wait_indirect_dma semaphore(%arg17 : memref<!tpu.dma_semaphore, #tpu.memory_space<semaphore_mem>>) src(%dma_wait3A_517 : memref<100001x128xf32, #tpu.memory_space<hbm>>) dst(%arg11 : memref<128x128xf32, #tpu.memory_space<vmem>>)
    %add3A_518 = arith.constant 128 : i32
    %add3A_519 = arith.addi %mul3A_2, %add3A_518 : i32
    %dma_start3A_520 = arith.constant 4 : i32
    %dma_start3A_521 = arith.constant 0 : i32
    %dma_start3A_522 = tpu.memref_slice %arg4[%dma_start3A_520, %add3A_519, %dma_start3A_521] : memref<5x16384x128xf32, #tpu.memory_space<hbm>> -> memref<1x128x128xf32, #tpu.memory_space<hbm>>
    %dma_start3A_523 = tpu.memref_squeeze %dma_start3A_522 : memref<1x128x128xf32, #tpu.memory_space<hbm>> -> memref<128x128xf32, #tpu.memory_space<hbm>>
    %dma_start3A_524 = arith.constant 0 : i32
    %dma_start3A_525 = tpu.memref_slice %arg4[%dma_start3A_520, %add3A_519, %dma_start3A_524] : memref<5x16384x128xf32, #tpu.memory_space<hbm>> -> memref<1x128x128xf32, #tpu.memory_space<hbm>>
    %dma_start3A_526 = tpu.memref_squeeze %dma_start3A_525 : memref<1x128x128xf32, #tpu.memory_space<hbm>> -> memref<128x128xf32, #tpu.memory_space<hbm>>
    tpu.enqueue_dma source(%arg11 : memref<128x128xf32, #tpu.memory_space<vmem>>) target(%dma_start3A_526 : memref<128x128xf32, #tpu.memory_space<hbm>>) target_semaphore(%arg23 : memref<!tpu.dma_semaphore, #tpu.memory_space<semaphore_mem>>)
    %dma_wait3A_527 = arith.constant 18 : i32
    %dma_wait3A_528 = arith.constant 0 : i32
    %dma_wait3A_529 = tpu.memref_slice %arg5[%dma_wait3A_527, %dma_wait3A_528] : memref<20x128xi32, #tpu.memory_space<vmem>> -> memref<1x128xi32, #tpu.memory_space<vmem>>
    %dma_wait3A_530 = tpu.memref_squeeze %dma_wait3A_529 : memref<1x128xi32, #tpu.memory_space<vmem>> -> memref<128xi32, #tpu.memory_space<vmem>>
    %dma_wait3A_531 = arith.constant 0 : i32
    %dma_wait3A_532 = arith.constant 0 : i32
    %dma_wait3A_533 = tpu.memref_slice %arg3[%dma_wait3A_531, %dma_wait3A_532] : memref<100001x128xf32, #tpu.memory_space<hbm>> -> memref<100001x128xf32, #tpu.memory_space<hbm>>
    tpu.wait_indirect_dma semaphore(%arg12 : memref<!tpu.dma_semaphore, #tpu.memory_space<semaphore_mem>>) src(%dma_wait3A_533 : memref<100001x128xf32, #tpu.memory_space<hbm>>) dst(%arg6 : memref<128x128xf32, #tpu.memory_space<vmem>>)
    %add3A_534 = arith.constant 256 : i32
    %add3A_535 = arith.addi %mul3A_2, %add3A_534 : i32
    %dma_start3A_536 = arith.constant 4 : i32
    %dma_start3A_537 = arith.constant 0 : i32
    %dma_start3A_538 = tpu.memref_slice %arg4[%dma_start3A_536, %add3A_535, %dma_start3A_537] : memref<5x16384x128xf32, #tpu.memory_space<hbm>> -> memref<1x128x128xf32, #tpu.memory_space<hbm>>
    %dma_start3A_539 = tpu.memref_squeeze %dma_start3A_538 : memref<1x128x128xf32, #tpu.memory_space<hbm>> -> memref<128x128xf32, #tpu.memory_space<hbm>>
    %dma_start3A_540 = arith.constant 0 : i32
    %dma_start3A_541 = tpu.memref_slice %arg4[%dma_start3A_536, %add3A_535, %dma_start3A_540] : memref<5x16384x128xf32, #tpu.memory_space<hbm>> -> memref<1x128x128xf32, #tpu.memory_space<hbm>>
    %dma_start3A_542 = tpu.memref_squeeze %dma_start3A_541 : memref<1x128x128xf32, #tpu.memory_space<hbm>> -> memref<128x128xf32, #tpu.memory_space<hbm>>
    tpu.enqueue_dma source(%arg6 : memref<128x128xf32, #tpu.memory_space<vmem>>) target(%dma_start3A_542 : memref<128x128xf32, #tpu.memory_space<hbm>>) target_semaphore(%arg18 : memref<!tpu.dma_semaphore, #tpu.memory_space<semaphore_mem>>)
    %dma_wait3A_543 = arith.constant 19 : i32
    %dma_wait3A_544 = arith.constant 0 : i32
    %dma_wait3A_545 = tpu.memref_slice %arg5[%dma_wait3A_543, %dma_wait3A_544] : memref<20x128xi32, #tpu.memory_space<vmem>> -> memref<1x128xi32, #tpu.memory_space<vmem>>
    %dma_wait3A_546 = tpu.memref_squeeze %dma_wait3A_545 : memref<1x128xi32, #tpu.memory_space<vmem>> -> memref<128xi32, #tpu.memory_space<vmem>>
    %dma_wait3A_547 = arith.constant 0 : i32
    %dma_wait3A_548 = arith.constant 0 : i32
    %dma_wait3A_549 = tpu.memref_slice %arg3[%dma_wait3A_547, %dma_wait3A_548] : memref<100001x128xf32, #tpu.memory_space<hbm>> -> memref<100001x128xf32, #tpu.memory_space<hbm>>
    tpu.wait_indirect_dma semaphore(%arg13 : memref<!tpu.dma_semaphore, #tpu.memory_space<semaphore_mem>>) src(%dma_wait3A_549 : memref<100001x128xf32, #tpu.memory_space<hbm>>) dst(%arg7 : memref<128x128xf32, #tpu.memory_space<vmem>>)
    %add3A_550 = arith.constant 384 : i32
    %add3A_551 = arith.addi %mul3A_2, %add3A_550 : i32
    %dma_start3A_552 = arith.constant 4 : i32
    %dma_start3A_553 = arith.constant 0 : i32
    %dma_start3A_554 = tpu.memref_slice %arg4[%dma_start3A_552, %add3A_551, %dma_start3A_553] : memref<5x16384x128xf32, #tpu.memory_space<hbm>> -> memref<1x128x128xf32, #tpu.memory_space<hbm>>
    %dma_start3A_555 = tpu.memref_squeeze %dma_start3A_554 : memref<1x128x128xf32, #tpu.memory_space<hbm>> -> memref<128x128xf32, #tpu.memory_space<hbm>>
    %dma_start3A_556 = arith.constant 0 : i32
    %dma_start3A_557 = tpu.memref_slice %arg4[%dma_start3A_552, %add3A_551, %dma_start3A_556] : memref<5x16384x128xf32, #tpu.memory_space<hbm>> -> memref<1x128x128xf32, #tpu.memory_space<hbm>>
    %dma_start3A_558 = tpu.memref_squeeze %dma_start3A_557 : memref<1x128x128xf32, #tpu.memory_space<hbm>> -> memref<128x128xf32, #tpu.memory_space<hbm>>
    tpu.enqueue_dma source(%arg7 : memref<128x128xf32, #tpu.memory_space<vmem>>) target(%dma_start3A_558 : memref<128x128xf32, #tpu.memory_space<hbm>>) target_semaphore(%arg19 : memref<!tpu.dma_semaphore, #tpu.memory_space<semaphore_mem>>)
    %dma_wait3A_559 = arith.constant 3 : i32
    %dma_wait3A_560 = arith.constant 0 : i32
    %dma_wait3A_561 = tpu.memref_slice %arg4[%dma_wait3A_559, %add3A_471, %dma_wait3A_560] : memref<5x16384x128xf32, #tpu.memory_space<hbm>> -> memref<1x128x128xf32, #tpu.memory_space<hbm>>
    %dma_wait3A_562 = tpu.memref_squeeze %dma_wait3A_561 : memref<1x128x128xf32, #tpu.memory_space<hbm>> -> memref<128x128xf32, #tpu.memory_space<hbm>>
    %dma_wait3A_563 = arith.constant 0 : i32
    %dma_wait3A_564 = tpu.memref_slice %arg4[%dma_wait3A_559, %add3A_471, %dma_wait3A_563] : memref<5x16384x128xf32, #tpu.memory_space<hbm>> -> memref<1x128x128xf32, #tpu.memory_space<hbm>>
    %dma_wait3A_565 = tpu.memref_squeeze %dma_wait3A_564 : memref<1x128x128xf32, #tpu.memory_space<hbm>> -> memref<128x128xf32, #tpu.memory_space<hbm>>
    tpu.wait_dma2 semaphore(%arg20 : memref<!tpu.dma_semaphore, #tpu.memory_space<semaphore_mem>>) src(%arg8 : memref<128x128xf32, #tpu.memory_space<vmem>>) dst(%dma_wait3A_565 : memref<128x128xf32, #tpu.memory_space<hbm>>)
    %dma_wait3A_566 = arith.constant 3 : i32
    %dma_wait3A_567 = arith.constant 0 : i32
    %dma_wait3A_568 = tpu.memref_slice %arg4[%dma_wait3A_566, %add3A_487, %dma_wait3A_567] : memref<5x16384x128xf32, #tpu.memory_space<hbm>> -> memref<1x128x128xf32, #tpu.memory_space<hbm>>
    %dma_wait3A_569 = tpu.memref_squeeze %dma_wait3A_568 : memref<1x128x128xf32, #tpu.memory_space<hbm>> -> memref<128x128xf32, #tpu.memory_space<hbm>>
    %dma_wait3A_570 = arith.constant 0 : i32
    %dma_wait3A_571 = tpu.memref_slice %arg4[%dma_wait3A_566, %add3A_487, %dma_wait3A_570] : memref<5x16384x128xf32, #tpu.memory_space<hbm>> -> memref<1x128x128xf32, #tpu.memory_space<hbm>>
    %dma_wait3A_572 = tpu.memref_squeeze %dma_wait3A_571 : memref<1x128x128xf32, #tpu.memory_space<hbm>> -> memref<128x128xf32, #tpu.memory_space<hbm>>
    tpu.wait_dma2 semaphore(%arg21 : memref<!tpu.dma_semaphore, #tpu.memory_space<semaphore_mem>>) src(%arg9 : memref<128x128xf32, #tpu.memory_space<vmem>>) dst(%dma_wait3A_572 : memref<128x128xf32, #tpu.memory_space<hbm>>)
    %dma_wait3A_573 = arith.constant 4 : i32
    %dma_wait3A_574 = arith.constant 0 : i32
    %dma_wait3A_575 = tpu.memref_slice %arg4[%dma_wait3A_573, %add3A_503, %dma_wait3A_574] : memref<5x16384x128xf32, #tpu.memory_space<hbm>> -> memref<1x128x128xf32, #tpu.memory_space<hbm>>
    %dma_wait3A_576 = tpu.memref_squeeze %dma_wait3A_575 : memref<1x128x128xf32, #tpu.memory_space<hbm>> -> memref<128x128xf32, #tpu.memory_space<hbm>>
    %dma_wait3A_577 = arith.constant 0 : i32
    %dma_wait3A_578 = tpu.memref_slice %arg4[%dma_wait3A_573, %add3A_503, %dma_wait3A_577] : memref<5x16384x128xf32, #tpu.memory_space<hbm>> -> memref<1x128x128xf32, #tpu.memory_space<hbm>>
    %dma_wait3A_579 = tpu.memref_squeeze %dma_wait3A_578 : memref<1x128x128xf32, #tpu.memory_space<hbm>> -> memref<128x128xf32, #tpu.memory_space<hbm>>
    tpu.wait_dma2 semaphore(%arg22 : memref<!tpu.dma_semaphore, #tpu.memory_space<semaphore_mem>>) src(%arg10 : memref<128x128xf32, #tpu.memory_space<vmem>>) dst(%dma_wait3A_579 : memref<128x128xf32, #tpu.memory_space<hbm>>)
    %dma_wait3A_580 = arith.constant 4 : i32
    %dma_wait3A_581 = arith.constant 0 : i32
    %dma_wait3A_582 = tpu.memref_slice %arg4[%dma_wait3A_580, %add3A_519, %dma_wait3A_581] : memref<5x16384x128xf32, #tpu.memory_space<hbm>> -> memref<1x128x128xf32, #tpu.memory_space<hbm>>
    %dma_wait3A_583 = tpu.memref_squeeze %dma_wait3A_582 : memref<1x128x128xf32, #tpu.memory_space<hbm>> -> memref<128x128xf32, #tpu.memory_space<hbm>>
    %dma_wait3A_584 = arith.constant 0 : i32
    %dma_wait3A_585 = tpu.memref_slice %arg4[%dma_wait3A_580, %add3A_519, %dma_wait3A_584] : memref<5x16384x128xf32, #tpu.memory_space<hbm>> -> memref<1x128x128xf32, #tpu.memory_space<hbm>>
    %dma_wait3A_586 = tpu.memref_squeeze %dma_wait3A_585 : memref<1x128x128xf32, #tpu.memory_space<hbm>> -> memref<128x128xf32, #tpu.memory_space<hbm>>
    tpu.wait_dma2 semaphore(%arg23 : memref<!tpu.dma_semaphore, #tpu.memory_space<semaphore_mem>>) src(%arg11 : memref<128x128xf32, #tpu.memory_space<vmem>>) dst(%dma_wait3A_586 : memref<128x128xf32, #tpu.memory_space<hbm>>)
    %dma_wait3A_587 = arith.constant 4 : i32
    %dma_wait3A_588 = arith.constant 0 : i32
    %dma_wait3A_589 = tpu.memref_slice %arg4[%dma_wait3A_587, %add3A_535, %dma_wait3A_588] : memref<5x16384x128xf32, #tpu.memory_space<hbm>> -> memref<1x128x128xf32, #tpu.memory_space<hbm>>
    %dma_wait3A_590 = tpu.memref_squeeze %dma_wait3A_589 : memref<1x128x128xf32, #tpu.memory_space<hbm>> -> memref<128x128xf32, #tpu.memory_space<hbm>>
    %dma_wait3A_591 = arith.constant 0 : i32
    %dma_wait3A_592 = tpu.memref_slice %arg4[%dma_wait3A_587, %add3A_535, %dma_wait3A_591] : memref<5x16384x128xf32, #tpu.memory_space<hbm>> -> memref<1x128x128xf32, #tpu.memory_space<hbm>>
    %dma_wait3A_593 = tpu.memref_squeeze %dma_wait3A_592 : memref<1x128x128xf32, #tpu.memory_space<hbm>> -> memref<128x128xf32, #tpu.memory_space<hbm>>
    tpu.wait_dma2 semaphore(%arg18 : memref<!tpu.dma_semaphore, #tpu.memory_space<semaphore_mem>>) src(%arg6 : memref<128x128xf32, #tpu.memory_space<vmem>>) dst(%dma_wait3A_593 : memref<128x128xf32, #tpu.memory_space<hbm>>)
    %dma_wait3A_594 = arith.constant 4 : i32
    %dma_wait3A_595 = arith.constant 0 : i32
    %dma_wait3A_596 = tpu.memref_slice %arg4[%dma_wait3A_594, %add3A_551, %dma_wait3A_595] : memref<5x16384x128xf32, #tpu.memory_space<hbm>> -> memref<1x128x128xf32, #tpu.memory_space<hbm>>
    %dma_wait3A_597 = tpu.memref_squeeze %dma_wait3A_596 : memref<1x128x128xf32, #tpu.memory_space<hbm>> -> memref<128x128xf32, #tpu.memory_space<hbm>>
    %dma_wait3A_598 = arith.constant 0 : i32
    %dma_wait3A_599 = tpu.memref_slice %arg4[%dma_wait3A_594, %add3A_551, %dma_wait3A_598] : memref<5x16384x128xf32, #tpu.memory_space<hbm>> -> memref<1x128x128xf32, #tpu.memory_space<hbm>>
    %dma_wait3A_600 = tpu.memref_squeeze %dma_wait3A_599 : memref<1x128x128xf32, #tpu.memory_space<hbm>> -> memref<128x128xf32, #tpu.memory_space<hbm>>
    tpu.wait_dma2 semaphore(%arg19 : memref<!tpu.dma_semaphore, #tpu.memory_space<semaphore_mem>>) src(%arg7 : memref<128x128xf32, #tpu.memory_space<vmem>>) dst(%dma_wait3A_600 : memref<128x128xf32, #tpu.memory_space<hbm>>)
    return
  }
}

module attributes {stable_mosaic.version = 14 : i64} {
  func.func @_matmul_a_body(%arg0: i32, %arg1: memref<5x4096x128xf32, #tpu.memory_space<vmem>>, %arg2: memref<50x640xf32, #tpu.memory_space<vmem>>, %arg3: memref<1x50xf32, #tpu.memory_space<vmem>>, %arg4: memref<4096x50xf32, #tpu.memory_space<vmem>>) attributes {dimension_semantics = [#tpu.dimension_semantics<arbitrary>], iteration_bounds = array<i64: 4>, scalar_prefetch = 0 : i64, scratch_operands = 0 : i64, tpu.core_type = #tpu.core_type<tc>, window_params = [{transform_indices = @transform_0, window_bounds = array<i64: 5, 4096, 128>}, {pipeline_mode = #tpu.pipeline_mode<synchronous>, transform_indices = @transform_1, window_bounds = array<i64: 50, 640>}, {pipeline_mode = #tpu.pipeline_mode<synchronous>, transform_indices = @transform_2, window_bounds = array<i64: 1, 50>}, {transform_indices = @transform_3, window_bounds = array<i64: 4096, 50>}]} {
    %get3A = arith.constant 0 : index
    %get3A_0 = arith.constant 0 : index
    %get3A_1 = vector.load %arg3[%get3A, %get3A_0] : memref<1x50xf32, #tpu.memory_space<vmem>>, vector<1x50xf32>
    %get3A_2 = arith.constant 0 : index
    %get3A_3 = arith.constant 0 : index
    %get3A_4 = arith.constant 0 : index
    %get3A_5 = vector.load %arg1[%get3A_2, %get3A_3, %get3A_4] : memref<5x4096x128xf32, #tpu.memory_space<vmem>>, vector<1x4096x128xf32>
    %get3A_6 = vector.shape_cast %get3A_5 : vector<1x4096x128xf32> to vector<4096x128xf32>
    %get3A_7 = arith.constant 0 : index
    %get3A_8 = arith.constant 0 : index
    %get3A_9 = vector.load %arg2[%get3A_7, %get3A_8] : memref<50x640xf32, #tpu.memory_space<vmem>>, vector<50x128xf32>
    %dot_general3A = arith.constant dense<0.000000e+00> : vector<4096x50xf32>
    %dot_general3A_10 = tpu.matmul %get3A_6, %get3A_9, %dot_general3A {dimension_numbers = #tpu.dot_dimension_numbers<[1], [1], [0], [0], [0, 0, 1, 0], [], []>, transpose_lhs_hint = false} : vector<4096x128xf32>, vector<50x128xf32>, vector<4096x50xf32> -> vector<4096x50xf32>
    %add3A = vector.broadcast %get3A_1 : vector<1x50xf32> to vector<4096x50xf32>
    %add3A_11 = arith.addf %add3A, %dot_general3A_10 : vector<4096x50xf32>
    %get3A_12 = arith.constant 1 : index
    %get3A_13 = arith.constant 0 : index
    %get3A_14 = arith.constant 0 : index
    %get3A_15 = vector.load %arg1[%get3A_12, %get3A_13, %get3A_14] : memref<5x4096x128xf32, #tpu.memory_space<vmem>>, vector<1x4096x128xf32>
    %get3A_16 = vector.shape_cast %get3A_15 : vector<1x4096x128xf32> to vector<4096x128xf32>
    %get3A_17 = arith.constant 0 : index
    %get3A_18 = arith.constant 128 : index
    %get3A_19 = vector.load %arg2[%get3A_17, %get3A_18] : memref<50x640xf32, #tpu.memory_space<vmem>>, vector<50x128xf32>
    %dot_general3A_20 = arith.constant dense<0.000000e+00> : vector<4096x50xf32>
    %dot_general3A_21 = tpu.matmul %get3A_16, %get3A_19, %dot_general3A_20 {dimension_numbers = #tpu.dot_dimension_numbers<[1], [1], [0], [0], [0, 0, 1, 0], [], []>, transpose_lhs_hint = false} : vector<4096x128xf32>, vector<50x128xf32>, vector<4096x50xf32> -> vector<4096x50xf32>
    %add3A_22 = arith.addf %add3A_11, %dot_general3A_21 : vector<4096x50xf32>
    %get3A_23 = arith.constant 2 : index
    %get3A_24 = arith.constant 0 : index
    %get3A_25 = arith.constant 0 : index
    %get3A_26 = vector.load %arg1[%get3A_23, %get3A_24, %get3A_25] : memref<5x4096x128xf32, #tpu.memory_space<vmem>>, vector<1x4096x128xf32>
    %get3A_27 = vector.shape_cast %get3A_26 : vector<1x4096x128xf32> to vector<4096x128xf32>
    %get3A_28 = arith.constant 0 : index
    %get3A_29 = arith.constant 256 : index
    %get3A_30 = vector.load %arg2[%get3A_28, %get3A_29] : memref<50x640xf32, #tpu.memory_space<vmem>>, vector<50x128xf32>
    %dot_general3A_31 = arith.constant dense<0.000000e+00> : vector<4096x50xf32>
    %dot_general3A_32 = tpu.matmul %get3A_27, %get3A_30, %dot_general3A_31 {dimension_numbers = #tpu.dot_dimension_numbers<[1], [1], [0], [0], [0, 0, 1, 0], [], []>, transpose_lhs_hint = false} : vector<4096x128xf32>, vector<50x128xf32>, vector<4096x50xf32> -> vector<4096x50xf32>
    %add3A_33 = arith.addf %add3A_22, %dot_general3A_32 : vector<4096x50xf32>
    %get3A_34 = arith.constant 3 : index
    %get3A_35 = arith.constant 0 : index
    %get3A_36 = arith.constant 0 : index
    %get3A_37 = vector.load %arg1[%get3A_34, %get3A_35, %get3A_36] : memref<5x4096x128xf32, #tpu.memory_space<vmem>>, vector<1x4096x128xf32>
    %get3A_38 = vector.shape_cast %get3A_37 : vector<1x4096x128xf32> to vector<4096x128xf32>
    %get3A_39 = arith.constant 0 : index
    %get3A_40 = arith.constant 384 : index
    %get3A_41 = vector.load %arg2[%get3A_39, %get3A_40] : memref<50x640xf32, #tpu.memory_space<vmem>>, vector<50x128xf32>
    %dot_general3A_42 = arith.constant dense<0.000000e+00> : vector<4096x50xf32>
    %dot_general3A_43 = tpu.matmul %get3A_38, %get3A_41, %dot_general3A_42 {dimension_numbers = #tpu.dot_dimension_numbers<[1], [1], [0], [0], [0, 0, 1, 0], [], []>, transpose_lhs_hint = false} : vector<4096x128xf32>, vector<50x128xf32>, vector<4096x50xf32> -> vector<4096x50xf32>
    %add3A_44 = arith.addf %add3A_33, %dot_general3A_43 : vector<4096x50xf32>
    %get3A_45 = arith.constant 4 : index
    %get3A_46 = arith.constant 0 : index
    %get3A_47 = arith.constant 0 : index
    %get3A_48 = vector.load %arg1[%get3A_45, %get3A_46, %get3A_47] : memref<5x4096x128xf32, #tpu.memory_space<vmem>>, vector<1x4096x128xf32>
    %get3A_49 = vector.shape_cast %get3A_48 : vector<1x4096x128xf32> to vector<4096x128xf32>
    %get3A_50 = arith.constant 0 : index
    %get3A_51 = arith.constant 512 : index
    %get3A_52 = vector.load %arg2[%get3A_50, %get3A_51] : memref<50x640xf32, #tpu.memory_space<vmem>>, vector<50x128xf32>
    %dot_general3A_53 = arith.constant dense<0.000000e+00> : vector<4096x50xf32>
    %dot_general3A_54 = tpu.matmul %get3A_49, %get3A_52, %dot_general3A_53 {dimension_numbers = #tpu.dot_dimension_numbers<[1], [1], [0], [0], [0, 0, 1, 0], [], []>, transpose_lhs_hint = false} : vector<4096x128xf32>, vector<50x128xf32>, vector<4096x50xf32> -> vector<4096x50xf32>
    %add3A_55 = arith.addf %add3A_44, %dot_general3A_54 : vector<4096x50xf32>
    %swap3A = arith.constant 0 : index
    %swap3A_56 = arith.constant 0 : index
    %swap3A_57 = vector.load %arg4[%swap3A, %swap3A_56] : memref<4096x50xf32, #tpu.memory_space<vmem>>, vector<4096x50xf32>
    tpu.vector_store %arg4[%swap3A, %swap3A_56], %add3A_55 {strides = array<i32>} : memref<4096x50xf32, #tpu.memory_space<vmem>>, vector<4096x50xf32>,
    return
  }
  func.func @transform_0(%arg0: i32) -> (i32, i32, i32) {
    %c0_i32 = arith.constant 0 : i32
    %c0_i32_0 = arith.constant 0 : i32
    %c0_i32_1 = arith.constant 0 : i32
    return %c0_i32, %arg0, %c0_i32_0 : i32, i32, i32
  }
  func.func @transform_1(%arg0: i32) -> (i32, i32) {
    %c0_i32 = arith.constant 0 : i32
    %c0_i32_0 = arith.constant 0 : i32
    %c0_i32_1 = arith.constant 0 : i32
    return %c0_i32, %c0_i32_0 : i32, i32
  }
  func.func @transform_2(%arg0: i32) -> (i32, i32) {
    %c0_i32 = arith.constant 0 : i32
    %c0_i32_0 = arith.constant 0 : i32
    %c0_i32_1 = arith.constant 0 : i32
    return %c0_i32, %c0_i32_0 : i32, i32
  }
  func.func @transform_3(%arg0: i32) -> (i32, i32) {
    %c0_i32 = arith.constant 0 : i32
    %c0_i32_0 = arith.constant 0 : i32
    return %arg0, %c0_i32 : i32, i32
  }
}

</mosaic_0001>

<sc_bundles>
// kernel: kernel.4.cloned.1.call-start
scs
__scs_entry_jumppad:
0x0: {  	(pc) =	sbr.rel $0x88, $3  }
0x1: {  	(tag) =	ssettag $0x0;
	lr =	simm.s32 $0x1  }
0x2: {  	[smem:$0x3F9D] =	sst lr;
	_ =	strace $0xD0000000  }
0x3: {  	_ = 	snop  }
0x4: {  	_ = 	snop  }
0x5: {  	_ = 	snop  }
0x6: {  	_ = 	snop  }
0x7: {  	_ = 	snop  }
__scs_overlays_trampoline_lowered:
0x8: {  	[smem:$0x3FAC] =	sst s0  }
0x9: {  	[smem:$0x3FAD] =	sst s1  }
0xa: {  	[smem:$0x3FAE] =	sst s2  }
0xb: {  	[smem:$0x3FAF] =	sst s3  }
0xc: {  	[smem:$0x3FB0] =	sst s4  }
0xd: {  	[smem:$0x3FB1] =	sst s5  }
0xe: {  	[smem:$0x3FB2] =	sst s6  }
0xf: {  	[smem:$0x3FB3] =	sst s7  }
0x10: {  	[smem:$0x3FB4] =	sst s8  }
0x11: {  	[smem:$0x3FB5] =	sst s9;
	s0 =	simm.s32 @!p0 $0x0  }
0x12: {  	s1 =	sld [smem:$0x3F9B];
	s0 =	simm.s32 @p0 $0x1  }
0x13: {  	[smem:$0x3FB6] =	sst s0;
	s0 =	simm.s32 @!p1 $0x0  }
0x14: {  	s2 =	sld [smem:$0x3F9A];
	s0 =	simm.s32 @p1 $0x1  }
0x15: {  	[smem:$0x3FB7] =	sst s0;
	s0 =	simm.s32 @!p2 $0x0  }
0x16: {  	s3 =	sld [smem:$0x3FDB];
	s0 =	simm.s32 @p2 $0x1  }
0x17: {  	s4 =	simm.s32 $0x1BF5;
	[smem:$0x3FB9] =	sst s0  }
0x18: {  	s0 =	sld [smem:$0x3F9C];
	_ =	swait.ge [sflag:s4], $0x0  }
0x19: {  	s7 =	sld [smem:$0x3F9D]  }
0x1a: {  	s8 =	sadd.s32 $0xFFFFE003, lr  }
0x1b: {  	s9 =	sadd.s32 $0xFFFFFEF7, lr;
	s5 =	simm.s32 $0xFFFFFFFF;
	p2 =	slt.u32 s8, $0xFFFFF086  }
0x1c: {  	p1 =	slt.u32 s9, $0xF7A;
	s5 =	simm.s32 @!p2 $0x0  }
0x1d: {  	s5 =	simm.s32 @p1 $0x1;
	p0 =	seq.s32 s7, s2  }
0x1e: {  	s7 =	smul.u32 @!p0 $0xF7A, s2;
	p2 =	seq.s32 @!p0 s5, $0x0  }
0x1f: {  	s9 =	smul.u32 $0xF7A, s1;
	s8 =	simm.s32 @!p0 $0x1BF5;
	p2 =	por !p2, p0  }
0x20: {  	[sflag:s8] =	ssyncset.s32 @!p0 $0xFFFFF086;
	s6 =	sadd.s32 @!p0 s3, s7;
	s7 =	simm.s32 @!p0 $0x108  }
0x21: {  	s3 =	sadd.s32 s3, s9;
	s6 =	sadd.s32 @!p0 $0x88, s6;
	s7 =	simm.s32 @p2 $0x1082  }
0x22: {  	[simem:s7], [sflag:s8] =	dma.local @!p0 [hbm:s6], $0xF7A  }
0x23: {  	s9 =	sor.u32 $0xD0000000, s2;
	s6 =	simm.s32 $0x108;
	_ =	swait.ge @!p0 [sflag:s8], $0x0  }
0x24: {  	s3 =	sadd.s32 $0x88, s3;
	s6 =	simm.s32 @!p1 $0x1082;
	[sflag:s4] =	ssyncset.s32 $0xFFFFF086  }
0x25: {  	[simem:s6], [sflag:s4] =	dma.local [hbm:s3], $0xF7A  }
0x26: {  	[smem:$0x3F9D] =	sst s1;
	(tag) =	ssettag s2;
	_ =	strace s9  }
0x27: {  	s1 =	sld [smem:$0x3FAD]  }
0x28: {  	s2 =	sld [smem:$0x3FAE]  }
0x29: {  	s4 =	sld [smem:$0x3FB0]  }
0x2a: {  	p0 =	seq.s32 s5, $0x0;
	s5 =	sld [smem:$0x3FB1]  }
0x2b: {  	s6 =	sld [smem:$0x3FB2]  }
0x2c: {  	s7 =	sld [smem:$0x3FB3]  }
0x2d: {  	s3 =	simm.s32 $0x108;
	s8 =	sld [smem:$0x3FB4]  }
0x2e: {  	s3 =	simm.s32 @!p0 $0x1082;
	s9 =	sld [smem:$0x3FB5]  }
0x2f: {  	lr =	sadd.s32 s0, s3;
	s0 =	sld [smem:$0x3FAC]  }
0x30: {  	s3 =	sld [smem:$0x3FAF]  }
0x31: {  	[smem:$0x3FB8] =	sst s10  }
0x32: {  	s10 =	sld [smem:$0x3FB6];
	_ =	sdelay $0x3  }
0x33: {  	p0 =	seq.s32 s10, $0x1;
	s10 =	sld [smem:$0x3FB8];
	_ =	sdelay $0x3  }
0x34: {  	[smem:$0x3FB8] =	sst s10  }
0x35: {  	s10 =	sld [smem:$0x3FB7];
	_ =	sdelay $0x3  }
0x36: {  	p1 =	seq.s32 s10, $0x1;
	s10 =	sld [smem:$0x3FB8];
	_ =	sdelay $0x3  }
0x37: {  	[smem:$0x3FB8] =	sst s10  }
0x38: {  	s10 =	sld [smem:$0x3FB9]  }
0x39: {  	_ = 	snop;
	(pc) =	sbr.ind lr, $3  }
0x3a: {  	_ = 	snop  }
0x3b: {  	_ = 	snop  }
0x3c: {  	p2 =	seq.s32 s10, $0x1;
	s10 =	sld [smem:$0x3FB8]  }
0x3d: {  	_ =	shalt  }
0x3e: {  	_ =	shalt  }
0x3f: {  	_ =	shalt  }
0x40: {  	_ =	shalt  }
0x41: {  	_ =	shalt  }
0x42: {  	_ =	shalt  }
0x43: {  	_ =	shalt  }
0x44: {  	_ =	shalt  }
0x45: {  	_ =	shalt  }
0x46: {  	_ =	shalt  }
0x47: {  	_ =	shalt  }
0x48: {  	_ =	shalt  }
0x49: {  	_ =	shalt  }
0x4a: {  	_ =	shalt  }
0x4b: {  	_ =	shalt  }
0x4c: {  	_ =	shalt  }
0x4d: {  	_ =	shalt  }
0x4e: {  	_ =	shalt  }
0x4f: {  	_ =	shalt  }
0x50: {  	_ =	shalt  }
0x51: {  	_ =	shalt  }
0x52: {  	_ =	shalt  }
0x53: {  	_ =	shalt  }
0x54: {  	_ =	shalt  }
0x55: {  	_ =	shalt  }
0x56: {  	_ =	shalt  }
0x57: {  	_ =	shalt  }
0x58: {  	_ =	shalt  }
0x59: {  	_ =	shalt  }
0x5a: {  	_ =	shalt  }
0x5b: {  	_ =	shalt  }
0x5c: {  	_ =	shalt  }
0x5d: {  	_ =	shalt  }
0x5e: {  	_ =	shalt  }
0x5f: {  	_ =	shalt  }
0x60: {  	_ =	shalt  }
0x61: {  	_ =	shalt  }
0x62: {  	_ =	shalt  }
0x63: {  	_ =	shalt  }
0x64: {  	_ =	shalt  }
0x65: {  	_ =	shalt  }
0x66: {  	_ =	shalt  }
0x67: {  	_ =	shalt  }
0x68: {  	_ =	shalt  }
0x69: {  	_ =	shalt  }
0x6a: {  	_ =	shalt  }
0x6b: {  	_ =	shalt  }
0x6c: {  	_ =	shalt  }
0x6d: {  	_ =	shalt  }
0x6e: {  	_ =	shalt  }
0x6f: {  	_ =	shalt  }
0x70: {  	_ =	shalt  }
0x71: {  	_ =	shalt  }
0x72: {  	_ =	shalt  }
0x73: {  	_ =	shalt  }
0x74: {  	_ =	shalt  }
0x75: {  	_ =	shalt  }
0x76: {  	_ =	shalt  }
0x77: {  	_ =	shalt  }
0x78: {  	_ =	shalt  }
0x79: {  	_ =	shalt  }
0x7a: {  	_ =	shalt  }
0x7b: {  	_ =	shalt  }
0x7c: {  	_ =	shalt  }
0x7d: {  	_ =	shalt  }
0x7e: {  	_ =	shalt  }
0x7f: {  	_ =	shalt  }
0x80: {  	_ =	shalt  }
0x81: {  	_ =	shalt  }
0x82: {  	_ =	shalt  }
0x83: {  	_ =	shalt  }
0x84: {  	_ =	shalt  }
0x85: {  	_ =	shalt  }
0x86: {  	_ =	shalt  }
0x87: {  	_ =	shalt  }
.Lfunc_end0:
.L_simem_size_0:
called_computation_lowered:
.L_overlay_start_0:
0x88: {  	s2 =	sld [smem:$0x3FD9]  }
0x89: {  	s3 =	sld [smem:$0x3FFE];
	_ =	sdelay $0x1  }
0x8a: {  	s1 =	srdreg.scid  }
0x8b: {  	s0 =	sand.u32 $0x1, s1  }
0x8c: {  	s17 =	sshll.u32 s0, $0xA;
	s2 =	sadd.s32 s3, s2  }
0x8d: {  	s2 =	sadd.s32 s2, s17  }
0x8e: {  	[smem:$0x3FC4] =	sst s2  }
0x8f: {  	_ = 	snop  }
0x90: {  	s2 =	sld [smem:$0x3FC8]  }
0x91: {  	s18 =	sld [smem:$0x3FD0];
	(tm) =	ssettm $0x1  }
0x92: {  	s4 =	sld [smem:$0x3FFB];
	_ =	sdelay $0x3  }
0x93: {  	_ =	strace s4  }
0x94: {  	s4 =	sld [smem:$0x3FFC];
	_ =	sdelay $0x3  }
0x95: {  	_ =	strace s4  }
0x96: {  	s4 =	sld [smem:$0x3FFD];
	_ =	sdelay $0x3  }
0x97: {  	_ =	strace s4  }
0x98: {  	_ =	strace $0x8FFFFFFF  }
0x99: {  	s19 =	sld [smem:$0x3FDB];
	_ =	sdelay $0x1  }
0x9a: {  	s5 =	simm.s32 $_scs_section_size  }
0x9b: {  	s6 =	simm.s32 $_size__tile_overlayer_lowered;
	s7 =	simm.s32 $_tile_overlayer_lowered  }
0x9c: {  	s22 =	simm.s32 $0x1BFF;
	s21 =	sshll.u32 s7, $0x1;
	s4 =	sadd.s32 s5, s19  }
0x9d: {  	s8 =	simm.s32 $0x0;
	s20 =	sshll.u32 s6, $0x1;
	s6 =	sadd.s32 s21, s4  }
0x9e: {  	[timem:s8], [sflag:s22] =	dma.local [hbm:s6], s20  }
0x9f: {  	_ =	swait.ge [sflag:s22], s20  }
0xa0: {  	s5 =	ssub.s32 $0x0, s20;
	[sflag:s22] =	ssyncset.done $0x0  }
0xa1: {  	[sflag:s22] =	ssyncadd.s32 s5;
	_ =	sdelay $0x1  }
0xa2: {  	s23 =	simm.s32 $0x1B8B  }
0xa3: {  	_ =	swait.ge [sflag:s23], $0x1  }
0xa4: {  	[sflag:s23] =	ssyncset.done $0x0  }
0xa5: {  	s25 =	simm.s32 $0x1B8E;
	s24 =	sld [smem:$0x3FFE];
	[sflag:s23] =	ssyncadd.s32 $0xFFFFFFFF  }
0xa6: {  	s26 =	simm.s32 $execute0_lowered;
	[smem:$0x3FD2] =	sst s25  }
0xa7: {  	s6 =	sshll.u32 s26, $0x1;
	_ =	strace $0x80000046;
	[dreg:$0x1] =	wrdreg $0xFFFFFFFF  }
0xa8: {  	s28 =	simm.s32 $_size_execute0_lowered;
	s4 =	sadd.s32 s4, s6;
	[dreg:$0x0] =	wrdreg $0x0  }
0xa9: {  	s6 =	sshll.u32 s28, $0x1;
	[dreg:$0x2] =	wrdreg s4  }
0xaa: {  	[dreg:$0x3] =	wrdreg s6  }
0xab: {  	[dreg:$0x4] =	wrdreg $0xC0  }
0xac: {  	_ =	task [dreg:s8], $0x5FFFF  }
0xad: {  	[dreg:$0x1] =	wrdreg $0xFFFFFFFF  }
0xae: {  	[dreg:$0x0] =	wrdreg $0x60  }
0xaf: {  	[dreg:$0x2] =	wrdreg s18  }
0xb0: {  	[dreg:$0x3] =	wrdreg s2  }
0xb1: {  	[dreg:$0x4] =	wrdreg s24  }
0xb2: {  	[dreg:$0x5] =	wrdreg $0x9  }
0xb3: {  	_ =	task.clear_ibuf [dreg:s8], $0x6FFFF;
	_ =	strace $0x90000046  }
0xb4: {  	s29 =	simm.s32 $0x9;
	_ =	strace $0x80000048  }
0xb5: {  	_ =	swait.ge [sflag:s29], $0x1  }
0xb6: {  	[sflag:s29] =	ssyncadd.s32 $0xFFFFFFFF  }
0xb7: {  	_ =	strace $0x90000048  }
0xb8: {  	_ =	sfence  }
0xb9: {  	s30 =	sld [smem:$0x0];
	_ =	sdelay $0x2  }
0xba: {  	s31 =	sshll.u32 s1, $0xD;
	s1 =	sshrl.u32 s1, $0x2  }
0xbb: {  	s3 =	sand.u32 $0x4000, s31;
	s1 =	sadd.s32 s1, s30  }
0xbc: {  	s0 =	sor.u32 s3, s0;
	s1 =	sshll.u32 s1, $0x11  }
0xbd: {  	s0 =	sor.u32 s1, s0  }
0xbe: {  	s0 =	sadd.s32 $0x8F2B, s0  }
0xbf: {  	[sflag:s0] =	ssyncadd.remote.s32 $0x1  }
0xc0: {  	_ =	sfence.sel $0xFFFF  }
0xc1: {  	[dreg:$0x0] =	wrdreg $0xFFFFFFFF;
	(pc) =	sbr.abs _section_cstart, $3  }
0xc2: {  	[dreg:$0x1] =	wrdreg $0xFFFFFFFF  }
0xc3: {  	_ =	task.clear_ibuf [dreg:s8], $0x2FFFF;
	_ =	strace $0x9FFFFFFF  }
0xc4: {  	(tm) =	ssettm $0x7FFFFFFF  }
0xc5: {  	_ =	shalt  }
tec
execute0_lowered:
.L_overlay_start_1:
0x0: {  	(tag) =	ssettag $0x1  }
0x1: {  	s1 =	srdreg.scid;
	s23 =	stileid.u32  }
0x2: {  	s1 =	sand.u32 $0x1, s1;
	s2 =	sshll.u32 s23, $0x1  }
0x3: {  	s0 =	rddreg [dreg:$0x0];
	s5 =	sor.u32 s1, s2  }
0x4: {  	s3 =	rddreg [dreg:$0x1];
	s6 =	smul.u32 $0x180, s5  }
0x5: {  	s4 =	rddreg [dreg:$0x2];
	s2 =	simm.s32 $0x0;
	s5 =	sshll.u32 s5, $0xD  }
0x6: {  	[smem:$0x7FF] =	sst s2;
	s4 =	sadd.s32 s5, s4;
	s0 =	sadd.s32 s0, s6  }
0x7: {  	_ =	strace $0x80000047;
	s8 =	sadd.s32 $0x800, s4;
	[dreg:$0x4] =	wrdreg s0  }
0x8: {  	s9 =	sadd.s32 $0x1000, s4;
	[dreg:$0x5] =	wrdreg s8  }
0x9: {  	s10 =	sadd.s32 $0x1800, s4;
	[dreg:$0x6] =	wrdreg s9  }
0xa: {  	s11 =	sadd.s32 $0x2000, s4;
	[dreg:$0x7] =	wrdreg s10  }
0xb: {  	s12 =	sadd.s32 $0x40800, s4;
	[dreg:$0x8] =	wrdreg s11  }
0xc: {  	s13 =	sadd.s32 $0x41000, s4;
	[dreg:$0x9] =	wrdreg s12  }
0xd: {  	s14 =	sadd.s32 $0x41800, s4;
	[dreg:$0xa] =	wrdreg s13  }
0xe: {  	s15 =	sadd.s32 $0x42000, s4;
	[dreg:$0xb] =	wrdreg s14  }
0xf: {  	s16 =	sadd.s32 $0x80800, s4;
	[dreg:$0xc] =	wrdreg s15  }
0x10: {  	s17 =	sadd.s32 $0x81000, s4;
	[dreg:$0xd] =	wrdreg s16  }
0x11: {  	s18 =	sadd.s32 $0x81800, s4;
	[dreg:$0xe] =	wrdreg s17  }
0x12: {  	s19 =	sadd.s32 $0x82000, s4;
	[dreg:$0xf] =	wrdreg s18  }
0x13: {  	s20 =	sadd.s32 $0xC0800, s4;
	[dreg:$0x10] =	wrdreg s19  }
0x14: {  	s31 =	simm.s32 $0xD;
	s21 =	sadd.s32 $0xC1000, s4;
	[dreg:$0x11] =	wrdreg s20  }
0x15: {  	p0 =	por $0x0, $0x0;
	s22 =	sadd.s32 $0xC1800, s4;
	[dreg:$0x12] =	wrdreg s21  }
0x16: {  	s30 =	simm.s32 $0x700;
	s24 =	sadd.s32 $0xC2000, s4;
	[dreg:$0x13] =	wrdreg s22  }
0x17: {  	s29 =	simm.s32 $0x780;
	s25 =	sadd.s32 $0x100800, s4;
	[dreg:$0x14] =	wrdreg s24  }
0x18: {  	s28 =	simm.s32 $0x800;
	s26 =	sadd.s32 $0x101000, s4;
	[dreg:$0x15] =	wrdreg s25  }
0x19: {  	s1 =	ssub.s32 $0x2, s1;
	s5 =	sadd.s32 $0x101800, s4;
	[dreg:$0x16] =	wrdreg s26  }
0x1a: {  	s6 =	sshrl.u32 s1, $0x1;
	s7 =	sadd.s32 $0x102000, s4;
	[dreg:$0x17] =	wrdreg s5  }
0x1b: {  	s4 =	simm.s32 $0x4C00;
	s1 =	ssub.s32 s1, s6;
	[dreg:$0x18] =	wrdreg s7  }
0x1c: {  	s17 =	simm.s32 $0x80;
	s7 =	simm.s32 $0xC00;
	s8 =	simm.s32 $0x100  }
0x1d: {  	s18 =	simm.s32 $0x8C00;
	s9 =	simm.s32 $0x180;
	s16 =	simm.s32 $0xCC00  }
0x1e: {  	s10 =	simm.s32 $0x200;
	s15 =	simm.s32 $0x10C00;
	s11 =	simm.s32 $0x280  }
0x1f: {  	s13 =	simm.s32 $0x14C00;
	s12 =	simm.s32 $0x300;
	s5 =	simm.s32 $0x7  }
0x20: {  	s6 =	simm.s32 $0x8;
	s14 =	simm.s32 $0x380;
	[dreg:$0x19] =	wrdreg s8  }
0x21: {  	s21 =	simm.s32 $0x3;
	s19 =	simm.s32 $0x400;
	[dreg:$0x1a] =	wrdreg s9  }
0x22: {  	s20 =	simm.s32 $0x480;
	s22 =	simm.s32 $0x4;
	[dreg:$0x1b] =	wrdreg s10  }
0x23: {  	s24 =	simm.s32 $0x500;
	s25 =	simm.s32 $0x580;
	[dreg:$0x1c] =	wrdreg s11  }
0x24: {  	s26 =	simm.s32 $0x600;
	s0 =	smax.u32 s1, $0x1;
	[dreg:$0x1d] =	wrdreg s12  }
0x25: {  	s9 =	simm.s32 $0x1;
	s8 =	simm.s32 $0x2;
	[dreg:$0x1e] =	wrdreg s14  }
0x26: {  	s10 =	simm.s32 $0x9;
	[dreg:$0x1f] =	wrdreg s19;
	p1 =	sne.s32 s0, $0x1  }
.Ltmp0:
0x27: {  	s11 =	simm.s32 $0xA;
	[smem:$0x7FA] =	sst s20;
	(pc) =	sbr.rel @!p1 .LBB2_1-.Ltmp0, $4  }
0x28: {  	s20 =	simm.s32 $0x5;
	s12 =	simm.s32 $0xB;
	[smem:$0x7FB] =	sst s24  }
0x29: {  	s19 =	simm.s32 $0x6;
	s14 =	simm.s32 $0xC;
	[smem:$0x7FC] =	sst s25  }
0x2a: {  	[smem:$0x7FD] =	sst s26;
	s26 =	simm.s32 $0x880;
	s25 =	simm.s32 $0x900  }
0x2b: {  	s24 =	simm.s32 $0x980;
	s1 =	sadd.s32 $0xFFFFFFFF, s0;
	s0 =	rddreg [dreg:$0x4]  }
0x2c: {  	[tilespmem:s2], [sflag:$0xD] =	stream.linear.gather [hbm4b:s0+s2], $0xA00, $0x38;
	[tilespmem:$0x18C00] =	vst v63  }
0x2d: {  	_ =	swait.ge [sflag:s31], $0xA00  }
0x2e: {  	[sflag:s31] =	ssyncset.done $0x0  }
0x2f: {  	[sflag:s31] =	ssyncadd.s32 $0xFFFFF600  }
0x30: {  	[tilespmem:s7], [sflag:$0x1] =	stream.indirect.gather [hbm4b:s3+s17], $0x80, s2, s17, $0xb8;
	[tilespmem:$0x18C00] =	vst v63  }
0x31: {  	_ = 	snop  }
0x32: {  	[tilespmem:s4], [sflag:$0x2] =	stream.indirect.gather [hbm4b:s3+s17], $0x80, s17, s17, $0xb8;
	[tilespmem:$0x18C00] =	vst v63  }
0x33: {  	s0 =	rddreg [dreg:$0x19]  }
0x34: {  	[tilespmem:s18], [sflag:$0x3] =	stream.indirect.gather [hbm4b:s3+s17], $0x80, s0, s17, $0xb8;
	[tilespmem:$0x18C00] =	vst v63  }
0x35: {  	s23 =	smov.u32 s1;
	s1 =	rddreg [dreg:$0x1a]  }
0x36: {  	[tilespmem:s16], [sflag:$0x4] =	stream.indirect.gather [hbm4b:s3+s17], $0x80, s1, s17, $0xb8;
	[tilespmem:$0x18C00] =	vst v63  }
0x37: {  	s0 =	rddreg [dreg:$0x1b]  }
0x38: {  	[tilespmem:s15], [sflag:$0x5] =	stream.indirect.gather [hbm4b:s3+s17], $0x80, s0, s17, $0xb8;
	[tilespmem:$0x18C00] =	vst v63  }
0x39: {  	s1 =	rddreg [dreg:$0x1c]  }
0x3a: {  	[tilespmem:s13], [sflag:$0x6] =	stream.indirect.gather [hbm4b:s3+s17], $0x80, s1, s17, $0xb8;
	[tilespmem:$0x18C00] =	vst v63  }
0x3b: {  	_ =	swait.ge [sflag:s9], $0x4000  }
0x3c: {  	[sflag:s9] =	ssyncset.done $0x0  }
0x3d: {  	s1 =	rddreg [dreg:$0x5];
	[sflag:s9] =	ssyncadd.s32 $0xFFFFC000  }
0x3e: {  	[hbm4b:s1+s2] =	stream.linear.scatter [tilespmem:s7], [sflag:$0x7], $0x4000, $0x38;
	[tilespmem:$0x18C00] =	vst v63  }
0x3f: {  	_ =	swait.ge [sflag:s5], $0x4000  }
0x40: {  	[sflag:s5] =	ssyncset.done $0x0  }
0x41: {  	s1 =	rddreg [dreg:$0x1d];
	[sflag:s5] =	ssyncadd.s32 $0xFFFFC000  }
0x42: {  	[tilespmem:s7], [sflag:$0x1] =	stream.indirect.gather [hbm4b:s3+s17], $0x80, s1, s17, $0xb8;
	[tilespmem:$0x18C00] =	vst v63  }
0x43: {  	_ =	swait.ge [sflag:s8], $0x4000  }
0x44: {  	[sflag:s8] =	ssyncset.done $0x0  }
0x45: {  	s1 =	rddreg [dreg:$0x6];
	[sflag:s8] =	ssyncadd.s32 $0xFFFFC000  }
0x46: {  	[hbm4b:s1+s2] =	stream.linear.scatter [tilespmem:s4], [sflag:$0x8], $0x4000, $0x38;
	[tilespmem:$0x18C00] =	vst v63  }
0x47: {  	_ =	swait.ge [sflag:s6], $0x4000  }
0x48: {  	[sflag:s6] =	ssyncset.done $0x0  }
0x49: {  	s1 =	rddreg [dreg:$0x1e];
	[sflag:s6] =	ssyncadd.s32 $0xFFFFC000  }
0x4a: {  	[tilespmem:s4], [sflag:$0x2] =	stream.indirect.gather [hbm4b:s3+s17], $0x80, s1, s17, $0xb8;
	[tilespmem:$0x18C00] =	vst v63  }
0x4b: {  	_ =	swait.ge [sflag:s21], $0x4000  }
0x4c: {  	[sflag:s21] =	ssyncset.done $0x0  }
0x4d: {  	s1 =	rddreg [dreg:$0x7];
	[sflag:s21] =	ssyncadd.s32 $0xFFFFC000  }
0x4e: {  	[hbm4b:s1+s2] =	stream.linear.scatter [tilespmem:s18], [sflag:$0x9], $0x4000, $0x38;
	[tilespmem:$0x18C00] =	vst v63  }
0x4f: {  	_ =	swait.ge [sflag:s10], $0x4000  }
0x50: {  	[sflag:s10] =	ssyncset.done $0x0  }
0x51: {  	s1 =	rddreg [dreg:$0x1f];
	[sflag:s10] =	ssyncadd.s32 $0xFFFFC000  }
0x52: {  	[tilespmem:s18], [sflag:$0x3] =	stream.indirect.gather [hbm4b:s3+s17], $0x80, s1, s17, $0xb8;
	[tilespmem:$0x18C00] =	vst v63  }
0x53: {  	_ =	swait.ge [sflag:s22], $0x4000  }
0x54: {  	[sflag:s22] =	ssyncset.done $0x0  }
0x55: {  	s1 =	rddreg [dreg:$0x8];
	[sflag:s22] =	ssyncadd.s32 $0xFFFFC000  }
0x56: {  	[hbm4b:s1+s2] =	stream.linear.scatter [tilespmem:s16], [sflag:$0xA], $0x4000, $0x38;
	[tilespmem:$0x18C00] =	vst v63  }
0x57: {  	_ =	swait.ge [sflag:s11], $0x4000  }
0x58: {  	s1 =	sld [smem:$0x7FA]  }
0x59: {  	[sflag:s11] =	ssyncset.done $0x0  }
0x5a: {  	[sflag:s11] =	ssyncadd.s32 $0xFFFFC000  }
0x5b: {  	[tilespmem:s16], [sflag:$0x4] =	stream.indirect.gather [hbm4b:s3+s17], $0x80, s1, s17, $0xb8;
	[tilespmem:$0x18C00] =	vst v63  }
0x5c: {  	_ =	swait.ge [sflag:s20], $0x4000  }
0x5d: {  	[sflag:s20] =	ssyncset.done $0x0  }
0x5e: {  	s1 =	rddreg [dreg:$0x9];
	[sflag:s20] =	ssyncadd.s32 $0xFFFFC000  }
0x5f: {  	[hbm4b:s1+s2] =	stream.linear.scatter [tilespmem:s15], [sflag:$0xB], $0x4000, $0x38;
	[tilespmem:$0x18C00] =	vst v63  }
0x60: {  	_ =	swait.ge [sflag:s12], $0x4000  }
0x61: {  	s1 =	sld [smem:$0x7FB]  }
0x62: {  	[sflag:s12] =	ssyncset.done $0x0  }
0x63: {  	[sflag:s12] =	ssyncadd.s32 $0xFFFFC000  }
0x64: {  	[tilespmem:s15], [sflag:$0x5] =	stream.indirect.gather [hbm4b:s3+s17], $0x80, s1, s17, $0xb8;
	[tilespmem:$0x18C00] =	vst v63  }
0x65: {  	_ =	swait.ge [sflag:s19], $0x4000  }
0x66: {  	[sflag:s19] =	ssyncset.done $0x0  }
0x67: {  	s1 =	rddreg [dreg:$0xa];
	[sflag:s19] =	ssyncadd.s32 $0xFFFFC000  }
0x68: {  	[hbm4b:s1+s2] =	stream.linear.scatter [tilespmem:s13], [sflag:$0xC], $0x4000, $0x38;
	[tilespmem:$0x18C00] =	vst v63  }
0x69: {  	_ =	swait.ge [sflag:s14], $0x4000  }
0x6a: {  	s1 =	sld [smem:$0x7FC]  }
0x6b: {  	[sflag:s14] =	ssyncset.done $0x0  }
0x6c: {  	[sflag:s14] =	ssyncadd.s32 $0xFFFFC000  }
0x6d: {  	[tilespmem:s13], [sflag:$0x6] =	stream.indirect.gather [hbm4b:s3+s17], $0x80, s1, s17, $0xb8;
	[tilespmem:$0x18C00] =	vst v63  }
0x6e: {  	_ =	swait.ge [sflag:s9], $0x4000  }
0x6f: {  	[sflag:s9] =	ssyncset.done $0x0  }
0x70: {  	s1 =	rddreg [dreg:$0xb];
	[sflag:s9] =	ssyncadd.s32 $0xFFFFC000  }
0x71: {  	[hbm4b:s1+s2] =	stream.linear.scatter [tilespmem:s7], [sflag:$0x7], $0x4000, $0x38;
	[tilespmem:$0x18C00] =	vst v63  }
0x72: {  	_ =	swait.ge [sflag:s5], $0x4000  }
0x73: {  	s1 =	sld [smem:$0x7FD]  }
0x74: {  	[sflag:s5] =	ssyncset.done $0x0  }
0x75: {  	[sflag:s5] =	ssyncadd.s32 $0xFFFFC000  }
0x76: {  	[tilespmem:s7], [sflag:$0x1] =	stream.indirect.gather [hbm4b:s3+s17], $0x80, s1, s17, $0xb8;
	[tilespmem:$0x18C00] =	vst v63  }
0x77: {  	_ =	swait.ge [sflag:s8], $0x4000  }
0x78: {  	[sflag:s8] =	ssyncset.done $0x0  }
0x79: {  	s1 =	rddreg [dreg:$0xc];
	[sflag:s8] =	ssyncadd.s32 $0xFFFFC000  }
0x7a: {  	[hbm4b:s1+s2] =	stream.linear.scatter [tilespmem:s4], [sflag:$0x8], $0x4000, $0x38;
	[tilespmem:$0x18C00] =	vst v63  }
0x7b: {  	_ =	swait.ge [sflag:s6], $0x4000  }
0x7c: {  	[sflag:s6] =	ssyncset.done $0x0  }
0x7d: {  	s1 =	simm.s32 $0x680;
	[sflag:s6] =	ssyncadd.s32 $0xFFFFC000  }
0x7e: {  	[tilespmem:s4], [sflag:$0x2] =	stream.indirect.gather [hbm4b:s3+s17], $0x80, s1, s17, $0xb8;
	[tilespmem:$0x18C00] =	vst v63  }
0x7f: {  	_ =	swait.ge [sflag:s21], $0x4000  }
0x80: {  	[sflag:s21] =	ssyncset.done $0x0  }
0x81: {  	s1 =	rddreg [dreg:$0xd];
	[sflag:s21] =	ssyncadd.s32 $0xFFFFC000  }
0x82: {  	[hbm4b:s1+s2] =	stream.linear.scatter [tilespmem:s18], [sflag:$0x9], $0x4000, $0x38;
	[tilespmem:$0x18C00] =	vst v63  }
0x83: {  	_ =	swait.ge [sflag:s10], $0x4000  }
0x84: {  	[sflag:s10] =	ssyncset.done $0x0  }
0x85: {  	[sflag:s10] =	ssyncadd.s32 $0xFFFFC000  }
0x86: {  	[tilespmem:s18], [sflag:$0x3] =	stream.indirect.gather [hbm4b:s3+s17], $0x80, s30, s17, $0xb8;
	[tilespmem:$0x18C00] =	vst v63  }
0x87: {  	_ =	swait.ge [sflag:s22], $0x4000  }
0x88: {  	[sflag:s22] =	ssyncset.done $0x0  }
0x89: {  	s1 =	rddreg [dreg:$0xe];
	[sflag:s22] =	ssyncadd.s32 $0xFFFFC000  }
0x8a: {  	[hbm4b:s1+s2] =	stream.linear.scatter [tilespmem:s16], [sflag:$0xA], $0x4000, $0x38;
	[tilespmem:$0x18C00] =	vst v63  }
0x8b: {  	_ =	swait.ge [sflag:s11], $0x4000  }
0x8c: {  	[sflag:s11] =	ssyncset.done $0x0  }
0x8d: {  	[sflag:s11] =	ssyncadd.s32 $0xFFFFC000  }
0x8e: {  	[tilespmem:s16], [sflag:$0x4] =	stream.indirect.gather [hbm4b:s3+s17], $0x80, s29, s17, $0xb8;
	[tilespmem:$0x18C00] =	vst v63  }
0x8f: {  	_ =	swait.ge [sflag:s20], $0x4000  }
0x90: {  	[sflag:s20] =	ssyncset.done $0x0  }
0x91: {  	s1 =	rddreg [dreg:$0xf];
	[sflag:s20] =	ssyncadd.s32 $0xFFFFC000  }
0x92: {  	[hbm4b:s1+s2] =	stream.linear.scatter [tilespmem:s15], [sflag:$0xB], $0x4000, $0x38;
	[tilespmem:$0x18C00] =	vst v63  }
0x93: {  	_ =	swait.ge [sflag:s12], $0x4000  }
0x94: {  	[sflag:s12] =	ssyncset.done $0x0  }
0x95: {  	[sflag:s12] =	ssyncadd.s32 $0xFFFFC000  }
0x96: {  	[tilespmem:s15], [sflag:$0x5] =	stream.indirect.gather [hbm4b:s3+s17], $0x80, s28, s17, $0xb8;
	[tilespmem:$0x18C00] =	vst v63  }
0x97: {  	_ =	swait.ge [sflag:s19], $0x4000  }
0x98: {  	[sflag:s19] =	ssyncset.done $0x0  }
0x99: {  	s1 =	rddreg [dreg:$0x10];
	[sflag:s19] =	ssyncadd.s32 $0xFFFFC000  }
0x9a: {  	[hbm4b:s1+s2] =	stream.linear.scatter [tilespmem:s13], [sflag:$0xC], $0x4000, $0x38;
	[tilespmem:$0x18C00] =	vst v63  }
0x9b: {  	_ =	swait.ge [sflag:s14], $0x4000  }
0x9c: {  	[sflag:s14] =	ssyncset.done $0x0  }
0x9d: {  	[sflag:s14] =	ssyncadd.s32 $0xFFFFC000  }
0x9e: {  	[tilespmem:s13], [sflag:$0x6] =	stream.indirect.gather [hbm4b:s3+s17], $0x80, s26, s17, $0xb8;
	[tilespmem:$0x18C00] =	vst v63  }
0x9f: {  	_ =	swait.ge [sflag:s9], $0x4000  }
0xa0: {  	[sflag:s9] =	ssyncset.done $0x0  }
0xa1: {  	s1 =	rddreg [dreg:$0x11];
	[sflag:s9] =	ssyncadd.s32 $0xFFFFC000  }
0xa2: {  	[hbm4b:s1+s2] =	stream.linear.scatter [tilespmem:s7], [sflag:$0x7], $0x4000, $0x38;
	[tilespmem:$0x18C00] =	vst v63  }
0xa3: {  	_ =	swait.ge [sflag:s5], $0x4000  }
0xa4: {  	[sflag:s5] =	ssyncset.done $0x0  }
0xa5: {  	[sflag:s5] =	ssyncadd.s32 $0xFFFFC000  }
0xa6: {  	[tilespmem:s7], [sflag:$0x1] =	stream.indirect.gather [hbm4b:s3+s17], $0x80, s25, s17, $0xb8;
	[tilespmem:$0x18C00] =	vst v63  }
0xa7: {  	_ =	swait.ge [sflag:s8], $0x4000  }
0xa8: {  	[sflag:s8] =	ssyncset.done $0x0  }
0xa9: {  	s1 =	rddreg [dreg:$0x12];
	[sflag:s8] =	ssyncadd.s32 $0xFFFFC000  }
0xaa: {  	[hbm4b:s1+s2] =	stream.linear.scatter [tilespmem:s4], [sflag:$0x8], $0x4000, $0x38;
	[tilespmem:$0x18C00] =	vst v63  }
0xab: {  	_ =	swait.ge [sflag:s6], $0x4000  }
0xac: {  	[sflag:s6] =	ssyncset.done $0x0  }
0xad: {  	[sflag:s6] =	ssyncadd.s32 $0xFFFFC000  }
0xae: {  	[tilespmem:s4], [sflag:$0x2] =	stream.indirect.gather [hbm4b:s3+s17], $0x80, s24, s17, $0xb8;
	[tilespmem:$0x18C00] =	vst v63  }
0xaf: {  	_ =	swait.ge [sflag:s21], $0x4000  }
0xb0: {  	[sflag:s21] =	ssyncset.done $0x0  }
0xb1: {  	s1 =	rddreg [dreg:$0x13];
	[sflag:s21] =	ssyncadd.s32 $0xFFFFC000  }
0xb2: {  	[hbm4b:s1+s2] =	stream.linear.scatter [tilespmem:s18], [sflag:$0x9], $0x4000, $0x38;
	[tilespmem:$0x18C00] =	vst v63  }
0xb3: {  	_ =	swait.ge [sflag:s22], $0x4000  }
0xb4: {  	[sflag:s22] =	ssyncset.done $0x0  }
0xb5: {  	s1 =	rddreg [dreg:$0x14];
	[sflag:s22] =	ssyncadd.s32 $0xFFFFC000  }
0xb6: {  	[hbm4b:s1+s2] =	stream.linear.scatter [tilespmem:s16], [sflag:$0xA], $0x4000, $0x38;
	[tilespmem:$0x18C00] =	vst v63  }
0xb7: {  	_ =	swait.ge [sflag:s20], $0x4000  }
0xb8: {  	[sflag:s20] =	ssyncset.done $0x0  }
0xb9: {  	s1 =	rddreg [dreg:$0x15];
	[sflag:s20] =	ssyncadd.s32 $0xFFFFC000  }
0xba: {  	[hbm4b:s1+s2] =	stream.linear.scatter [tilespmem:s15], [sflag:$0xB], $0x4000, $0x38;
	[tilespmem:$0x18C00] =	vst v63  }
0xbb: {  	_ =	swait.ge [sflag:s19], $0x4000  }
0xbc: {  	[sflag:s19] =	ssyncset.done $0x0  }
0xbd: {  	s1 =	rddreg [dreg:$0x16];
	[sflag:s19] =	ssyncadd.s32 $0xFFFFC000  }
0xbe: {  	[hbm4b:s1+s2] =	stream.linear.scatter [tilespmem:s13], [sflag:$0xC], $0x4000, $0x38;
	[tilespmem:$0x18C00] =	vst v63  }
0xbf: {  	_ =	swait.ge [sflag:s9], $0x4000  }
0xc0: {  	[sflag:s9] =	ssyncset.done $0x0  }
0xc1: {  	s1 =	rddreg [dreg:$0x17];
	[sflag:s9] =	ssyncadd.s32 $0xFFFFC000  }
0xc2: {  	[hbm4b:s1+s2] =	stream.linear.scatter [tilespmem:s7], [sflag:$0x7], $0x4000, $0x38;
	[tilespmem:$0x18C00] =	vst v63  }
0xc3: {  	_ =	swait.ge [sflag:s8], $0x4000  }
0xc4: {  	[sflag:s8] =	ssyncset.done $0x0  }
0xc5: {  	s1 =	rddreg [dreg:$0x18];
	[sflag:s8] =	ssyncadd.s32 $0xFFFFC000  }
0xc6: {  	[hbm4b:s1+s2] =	stream.linear.scatter [tilespmem:s4], [sflag:$0x8], $0x4000, $0x38;
	[tilespmem:$0x18C00] =	vst v63  }
0xc7: {  	_ =	swait.ge [sflag:s10], $0x4000  }
0xc8: {  	[sflag:s10] =	ssyncset.done $0x0  }
0xc9: {  	[sflag:s10] =	ssyncadd.s32 $0xFFFFC000  }
0xca: {  	_ =	swait.ge [sflag:s11], $0x4000  }
0xcb: {  	[sflag:s11] =	ssyncset.done $0x0  }
0xcc: {  	[sflag:s11] =	ssyncadd.s32 $0xFFFFC000  }
0xcd: {  	_ =	swait.ge [sflag:s12], $0x4000  }
0xce: {  	[sflag:s12] =	ssyncset.done $0x0  }
0xcf: {  	[sflag:s12] =	ssyncadd.s32 $0xFFFFC000  }
0xd0: {  	_ =	swait.ge [sflag:s14], $0x4000  }
0xd1: {  	[sflag:s14] =	ssyncset.done $0x0  }
0xd2: {  	p1 =	sne.s32 s23, $0x1;
	[sflag:s14] =	ssyncadd.s32 $0xFFFFC000  }
.Ltmp1:
0xd3: {  	_ =	swait.ge [sflag:s5], $0x4000;
	(pc) =	sbr.rel @!p1 .LBB2_3-.Ltmp1, $4  }
0xd4: {  	[sflag:s5] =	ssyncset.done $0x0  }
0xd5: {  	[sflag:s5] =	ssyncadd.s32 $0xFFFFC000  }
0xd6: {  	p0 =	por $0x1, $0x1;
	_ =	swait.ge [sflag:s6], $0x4000  }
0xd7: {  	s1 =	sadd.s32 $0xFFFFFFFF, s23;
	s0 =	rddreg [dreg:$0x4];
	[sflag:s6] =	ssyncset.done $0x0  }
.LBB2_4:
0xd8: {  	[sflag:s6] =	ssyncadd.s32 $0xFFFFC000  }
0xd9: {  	[tilespmem:s2], [sflag:$0xD] =	stream.linear.gather [hbm4b:s0+s2], $0xA00, $0x38;
	[tilespmem:$0x18C00] =	vst v63  }
0xda: {  	_ =	swait.ge [sflag:s31], $0xA00  }
0xdb: {  	[sflag:s31] =	ssyncset.done $0x0  }
0xdc: {  	[sflag:s31] =	ssyncadd.s32 $0xFFFFF600  }
0xdd: {  	[tilespmem:s7], [sflag:$0x1] =	stream.indirect.gather [hbm4b:s3+s17], $0x80, s2, s17, $0xb8;
	[tilespmem:$0x18C00] =	vst v63  }
0xde: {  	_ = 	snop  }
0xdf: {  	[tilespmem:s4], [sflag:$0x2] =	stream.indirect.gather [hbm4b:s3+s17], $0x80, s17, s17, $0xb8;
	[tilespmem:$0x18C00] =	vst v63  }
0xe0: {  	s0 =	rddreg [dreg:$0x19]  }
0xe1: {  	[tilespmem:s18], [sflag:$0x3] =	stream.indirect.gather [hbm4b:s3+s17], $0x80, s0, s17, $0xb8;
	[tilespmem:$0x18C00] =	vst v63  }
0xe2: {  	s23 =	rddreg [dreg:$0x1a]  }
0xe3: {  	[tilespmem:s16], [sflag:$0x4] =	stream.indirect.gather [hbm4b:s3+s17], $0x80, s23, s17, $0xb8;
	[tilespmem:$0x18C00] =	vst v63  }
0xe4: {  	s0 =	rddreg [dreg:$0x1b]  }
0xe5: {  	[tilespmem:s15], [sflag:$0x5] =	stream.indirect.gather [hbm4b:s3+s17], $0x80, s0, s17, $0xb8;
	[tilespmem:$0x18C00] =	vst v63  }
0xe6: {  	s23 =	rddreg [dreg:$0x1c]  }
0xe7: {  	[tilespmem:s13], [sflag:$0x6] =	stream.indirect.gather [hbm4b:s3+s17], $0x80, s23, s17, $0xb8;
	[tilespmem:$0x18C00] =	vst v63  }
0xe8: {  	_ =	swait.ge [sflag:s9], $0x4000  }
0xe9: {  	[sflag:s9] =	ssyncset.done $0x0  }
0xea: {  	s23 =	rddreg [dreg:$0x5];
	[sflag:s9] =	ssyncadd.s32 $0xFFFFC000  }
0xeb: {  	[hbm4b:s23+s2] =	stream.linear.scatter [tilespmem:s7], [sflag:$0x7], $0x4000, $0x38;
	[tilespmem:$0x18C00] =	vst v63  }
0xec: {  	_ =	swait.ge [sflag:s5], $0x4000  }
0xed: {  	[sflag:s5] =	ssyncset.done $0x0  }
0xee: {  	s23 =	rddreg [dreg:$0x1d];
	[sflag:s5] =	ssyncadd.s32 $0xFFFFC000  }
0xef: {  	[tilespmem:s7], [sflag:$0x1] =	stream.indirect.gather [hbm4b:s3+s17], $0x80, s23, s17, $0xb8;
	[tilespmem:$0x18C00] =	vst v63  }
0xf0: {  	_ =	swait.ge [sflag:s8], $0x4000  }
0xf1: {  	[sflag:s8] =	ssyncset.done $0x0  }
0xf2: {  	s23 =	rddreg [dreg:$0x6];
	[sflag:s8] =	ssyncadd.s32 $0xFFFFC000  }
0xf3: {  	[hbm4b:s23+s2] =	stream.linear.scatter [tilespmem:s4], [sflag:$0x8], $0x4000, $0x38;
	[tilespmem:$0x18C00] =	vst v63  }
0xf4: {  	_ =	swait.ge [sflag:s6], $0x4000  }
0xf5: {  	[sflag:s6] =	ssyncset.done $0x0  }
0xf6: {  	s23 =	rddreg [dreg:$0x1e];
	[sflag:s6] =	ssyncadd.s32 $0xFFFFC000  }
0xf7: {  	[tilespmem:s4], [sflag:$0x2] =	stream.indirect.gather [hbm4b:s3+s17], $0x80, s23, s17, $0xb8;
	[tilespmem:$0x18C00] =	vst v63  }
0xf8: {  	_ =	swait.ge [sflag:s21], $0x4000  }
0xf9: {  	[sflag:s21] =	ssyncset.done $0x0  }
0xfa: {  	s23 =	rddreg [dreg:$0x7];
	[sflag:s21] =	ssyncadd.s32 $0xFFFFC000  }
0xfb: {  	[hbm4b:s23+s2] =	stream.linear.scatter [tilespmem:s18], [sflag:$0x9], $0x4000, $0x38;
	[tilespmem:$0x18C00] =	vst v63  }
0xfc: {  	_ =	swait.ge [sflag:s10], $0x4000  }
0xfd: {  	[sflag:s10] =	ssyncset.done $0x0  }
0xfe: {  	s23 =	rddreg [dreg:$0x1f];
	[sflag:s10] =	ssyncadd.s32 $0xFFFFC000  }
0xff: {  	[tilespmem:s18], [sflag:$0x3] =	stream.indirect.gather [hbm4b:s3+s17], $0x80, s23, s17, $0xb8;
	[tilespmem:$0x18C00] =	vst v63  }
0x100: {  	_ =	swait.ge [sflag:s22], $0x4000  }
0x101: {  	[sflag:s22] =	ssyncset.done $0x0  }
0x102: {  	s23 =	rddreg [dreg:$0x8];
	[sflag:s22] =	ssyncadd.s32 $0xFFFFC000  }
0x103: {  	[hbm4b:s23+s2] =	stream.linear.scatter [tilespmem:s16], [sflag:$0xA], $0x4000, $0x38;
	[tilespmem:$0x18C00] =	vst v63  }
0x104: {  	_ =	swait.ge [sflag:s11], $0x4000  }
0x105: {  	s23 =	sld [smem:$0x7FA]  }
0x106: {  	[sflag:s11] =	ssyncset.done $0x0  }
0x107: {  	[sflag:s11] =	ssyncadd.s32 $0xFFFFC000  }
0x108: {  	[tilespmem:s16], [sflag:$0x4] =	stream.indirect.gather [hbm4b:s3+s17], $0x80, s23, s17, $0xb8;
	[tilespmem:$0x18C00] =	vst v63  }
0x109: {  	_ =	swait.ge [sflag:s20], $0x4000  }
0x10a: {  	[sflag:s20] =	ssyncset.done $0x0  }
0x10b: {  	s23 =	rddreg [dreg:$0x9];
	[sflag:s20] =	ssyncadd.s32 $0xFFFFC000  }
0x10c: {  	[hbm4b:s23+s2] =	stream.linear.scatter [tilespmem:s15], [sflag:$0xB], $0x4000, $0x38;
	[tilespmem:$0x18C00] =	vst v63  }
0x10d: {  	_ =	swait.ge [sflag:s12], $0x4000  }
0x10e: {  	s23 =	sld [smem:$0x7FB]  }
0x10f: {  	[sflag:s12] =	ssyncset.done $0x0  }
0x110: {  	[sflag:s12] =	ssyncadd.s32 $0xFFFFC000  }
0x111: {  	[tilespmem:s15], [sflag:$0x5] =	stream.indirect.gather [hbm4b:s3+s17], $0x80, s23, s17, $0xb8;
	[tilespmem:$0x18C00] =	vst v63  }
0x112: {  	_ =	swait.ge [sflag:s19], $0x4000  }
0x113: {  	[sflag:s19] =	ssyncset.done $0x0  }
0x114: {  	s23 =	rddreg [dreg:$0xa];
	[sflag:s19] =	ssyncadd.s32 $0xFFFFC000  }
0x115: {  	[hbm4b:s23+s2] =	stream.linear.scatter [tilespmem:s13], [sflag:$0xC], $0x4000, $0x38;
	[tilespmem:$0x18C00] =	vst v63  }
0x116: {  	_ =	swait.ge [sflag:s14], $0x4000  }
0x117: {  	s23 =	sld [smem:$0x7FC]  }
0x118: {  	[sflag:s14] =	ssyncset.done $0x0  }
0x119: {  	[sflag:s14] =	ssyncadd.s32 $0xFFFFC000  }
0x11a: {  	[tilespmem:s13], [sflag:$0x6] =	stream.indirect.gather [hbm4b:s3+s17], $0x80, s23, s17, $0xb8;
	[tilespmem:$0x18C00] =	vst v63  }
0x11b: {  	_ =	swait.ge [sflag:s9], $0x4000  }
0x11c: {  	[sflag:s9] =	ssyncset.done $0x0  }
0x11d: {  	s23 =	rddreg [dreg:$0xb];
	[sflag:s9] =	ssyncadd.s32 $0xFFFFC000  }
0x11e: {  	[hbm4b:s23+s2] =	stream.linear.scatter [tilespmem:s7], [sflag:$0x7], $0x4000, $0x38;
	[tilespmem:$0x18C00] =	vst v63  }
0x11f: {  	_ =	swait.ge [sflag:s5], $0x4000  }
0x120: {  	s23 =	sld [smem:$0x7FD]  }
0x121: {  	[sflag:s5] =	ssyncset.done $0x0  }
0x122: {  	[sflag:s5] =	ssyncadd.s32 $0xFFFFC000  }
0x123: {  	[tilespmem:s7], [sflag:$0x1] =	stream.indirect.gather [hbm4b:s3+s17], $0x80, s23, s17, $0xb8;
	[tilespmem:$0x18C00] =	vst v63  }
0x124: {  	_ =	swait.ge [sflag:s8], $0x4000  }
0x125: {  	[sflag:s8] =	ssyncset.done $0x0  }
0x126: {  	s23 =	rddreg [dreg:$0xc];
	[sflag:s8] =	ssyncadd.s32 $0xFFFFC000  }
0x127: {  	[hbm4b:s23+s2] =	stream.linear.scatter [tilespmem:s4], [sflag:$0x8], $0x4000, $0x38;
	[tilespmem:$0x18C00] =	vst v63  }
0x128: {  	_ =	swait.ge [sflag:s6], $0x4000  }
0x129: {  	[sflag:s6] =	ssyncset.done $0x0  }
0x12a: {  	s23 =	simm.s32 $0x680;
	[sflag:s6] =	ssyncadd.s32 $0xFFFFC000  }
0x12b: {  	[tilespmem:s4], [sflag:$0x2] =	stream.indirect.gather [hbm4b:s3+s17], $0x80, s23, s17, $0xb8;
	[tilespmem:$0x18C00] =	vst v63  }
0x12c: {  	_ =	swait.ge [sflag:s21], $0x4000  }
0x12d: {  	[sflag:s21] =	ssyncset.done $0x0  }
0x12e: {  	s23 =	rddreg [dreg:$0xd];
	[sflag:s21] =	ssyncadd.s32 $0xFFFFC000  }
0x12f: {  	[hbm4b:s23+s2] =	stream.linear.scatter [tilespmem:s18], [sflag:$0x9], $0x4000, $0x38;
	[tilespmem:$0x18C00] =	vst v63  }
0x130: {  	_ =	swait.ge [sflag:s10], $0x4000  }
0x131: {  	[sflag:s10] =	ssyncset.done $0x0  }
0x132: {  	[sflag:s10] =	ssyncadd.s32 $0xFFFFC000  }
0x133: {  	[tilespmem:s18], [sflag:$0x3] =	stream.indirect.gather [hbm4b:s3+s17], $0x80, s30, s17, $0xb8;
	[tilespmem:$0x18C00] =	vst v63  }
0x134: {  	_ =	swait.ge [sflag:s22], $0x4000  }
0x135: {  	[sflag:s22] =	ssyncset.done $0x0  }
0x136: {  	s23 =	rddreg [dreg:$0xe];
	[sflag:s22] =	ssyncadd.s32 $0xFFFFC000  }
0x137: {  	[hbm4b:s23+s2] =	stream.linear.scatter [tilespmem:s16], [sflag:$0xA], $0x4000, $0x38;
	[tilespmem:$0x18C00] =	vst v63  }
0x138: {  	_ =	swait.ge [sflag:s11], $0x4000  }
0x139: {  	[sflag:s11] =	ssyncset.done $0x0  }
0x13a: {  	[sflag:s11] =	ssyncadd.s32 $0xFFFFC000  }
0x13b: {  	[tilespmem:s16], [sflag:$0x4] =	stream.indirect.gather [hbm4b:s3+s17], $0x80, s29, s17, $0xb8;
	[tilespmem:$0x18C00] =	vst v63  }
0x13c: {  	_ =	swait.ge [sflag:s20], $0x4000  }
0x13d: {  	[sflag:s20] =	ssyncset.done $0x0  }
0x13e: {  	s23 =	rddreg [dreg:$0xf];
	[sflag:s20] =	ssyncadd.s32 $0xFFFFC000  }
0x13f: {  	[hbm4b:s23+s2] =	stream.linear.scatter [tilespmem:s15], [sflag:$0xB], $0x4000, $0x38;
	[tilespmem:$0x18C00] =	vst v63  }
0x140: {  	_ =	swait.ge [sflag:s12], $0x4000  }
0x141: {  	[sflag:s12] =	ssyncset.done $0x0  }
0x142: {  	[sflag:s12] =	ssyncadd.s32 $0xFFFFC000  }
0x143: {  	[tilespmem:s15], [sflag:$0x5] =	stream.indirect.gather [hbm4b:s3+s17], $0x80, s28, s17, $0xb8;
	[tilespmem:$0x18C00] =	vst v63  }
0x144: {  	_ =	swait.ge [sflag:s19], $0x4000  }
0x145: {  	[sflag:s19] =	ssyncset.done $0x0  }
0x146: {  	s23 =	rddreg [dreg:$0x10];
	[sflag:s19] =	ssyncadd.s32 $0xFFFFC000  }
0x147: {  	[hbm4b:s23+s2] =	stream.linear.scatter [tilespmem:s13], [sflag:$0xC], $0x4000, $0x38;
	[tilespmem:$0x18C00] =	vst v63  }
0x148: {  	_ =	swait.ge [sflag:s14], $0x4000  }
0x149: {  	[sflag:s14] =	ssyncset.done $0x0  }
0x14a: {  	[sflag:s14] =	ssyncadd.s32 $0xFFFFC000  }
0x14b: {  	[tilespmem:s13], [sflag:$0x6] =	stream.indirect.gather [hbm4b:s3+s17], $0x80, s26, s17, $0xb8;
	[tilespmem:$0x18C00] =	vst v63  }
0x14c: {  	_ =	swait.ge [sflag:s9], $0x4000  }
0x14d: {  	[sflag:s9] =	ssyncset.done $0x0  }
0x14e: {  	s23 =	rddreg [dreg:$0x11];
	[sflag:s9] =	ssyncadd.s32 $0xFFFFC000  }
0x14f: {  	[hbm4b:s23+s2] =	stream.linear.scatter [tilespmem:s7], [sflag:$0x7], $0x4000, $0x38;
	[tilespmem:$0x18C00] =	vst v63  }
0x150: {  	_ =	swait.ge [sflag:s5], $0x4000  }
0x151: {  	[sflag:s5] =	ssyncset.done $0x0  }
0x152: {  	[sflag:s5] =	ssyncadd.s32 $0xFFFFC000  }
0x153: {  	[tilespmem:s7], [sflag:$0x1] =	stream.indirect.gather [hbm4b:s3+s17], $0x80, s25, s17, $0xb8;
	[tilespmem:$0x18C00] =	vst v63  }
0x154: {  	_ =	swait.ge [sflag:s8], $0x4000  }
0x155: {  	[sflag:s8] =	ssyncset.done $0x0  }
0x156: {  	s23 =	rddreg [dreg:$0x12];
	[sflag:s8] =	ssyncadd.s32 $0xFFFFC000  }
0x157: {  	[hbm4b:s23+s2] =	stream.linear.scatter [tilespmem:s4], [sflag:$0x8], $0x4000, $0x38;
	[tilespmem:$0x18C00] =	vst v63  }
0x158: {  	_ =	swait.ge [sflag:s6], $0x4000  }
0x159: {  	[sflag:s6] =	ssyncset.done $0x0  }
0x15a: {  	[sflag:s6] =	ssyncadd.s32 $0xFFFFC000  }
0x15b: {  	[tilespmem:s4], [sflag:$0x2] =	stream.indirect.gather [hbm4b:s3+s17], $0x80, s24, s17, $0xb8;
	[tilespmem:$0x18C00] =	vst v63  }
0x15c: {  	_ =	swait.ge [sflag:s21], $0x4000  }
0x15d: {  	[sflag:s21] =	ssyncset.done $0x0  }
0x15e: {  	s23 =	rddreg [dreg:$0x13];
	[sflag:s21] =	ssyncadd.s32 $0xFFFFC000  }
0x15f: {  	[hbm4b:s23+s2] =	stream.linear.scatter [tilespmem:s18], [sflag:$0x9], $0x4000, $0x38;
	[tilespmem:$0x18C00] =	vst v63  }
0x160: {  	_ =	swait.ge [sflag:s22], $0x4000  }
0x161: {  	[sflag:s22] =	ssyncset.done $0x0  }
0x162: {  	s23 =	rddreg [dreg:$0x14];
	[sflag:s22] =	ssyncadd.s32 $0xFFFFC000  }
0x163: {  	[hbm4b:s23+s2] =	stream.linear.scatter [tilespmem:s16], [sflag:$0xA], $0x4000, $0x38;
	[tilespmem:$0x18C00] =	vst v63  }
0x164: {  	_ =	swait.ge [sflag:s20], $0x4000  }
0x165: {  	[sflag:s20] =	ssyncset.done $0x0  }
0x166: {  	s23 =	rddreg [dreg:$0x15];
	[sflag:s20] =	ssyncadd.s32 $0xFFFFC000  }
0x167: {  	[hbm4b:s23+s2] =	stream.linear.scatter [tilespmem:s15], [sflag:$0xB], $0x4000, $0x38;
	[tilespmem:$0x18C00] =	vst v63  }
0x168: {  	_ =	swait.ge [sflag:s19], $0x4000  }
0x169: {  	[sflag:s19] =	ssyncset.done $0x0  }
0x16a: {  	s23 =	rddreg [dreg:$0x16];
	[sflag:s19] =	ssyncadd.s32 $0xFFFFC000  }
0x16b: {  	[hbm4b:s23+s2] =	stream.linear.scatter [tilespmem:s13], [sflag:$0xC], $0x4000, $0x38;
	[tilespmem:$0x18C00] =	vst v63  }
0x16c: {  	_ =	swait.ge [sflag:s9], $0x4000  }
0x16d: {  	[sflag:s9] =	ssyncset.done $0x0  }
0x16e: {  	s23 =	rddreg [dreg:$0x17];
	[sflag:s9] =	ssyncadd.s32 $0xFFFFC000  }
0x16f: {  	[hbm4b:s23+s2] =	stream.linear.scatter [tilespmem:s7], [sflag:$0x7], $0x4000, $0x38;
	[tilespmem:$0x18C00] =	vst v63  }
0x170: {  	_ =	swait.ge [sflag:s8], $0x4000  }
0x171: {  	[sflag:s8] =	ssyncset.done $0x0  }
0x172: {  	s23 =	rddreg [dreg:$0x18];
	[sflag:s8] =	ssyncadd.s32 $0xFFFFC000  }
0x173: {  	[hbm4b:s23+s2] =	stream.linear.scatter [tilespmem:s4], [sflag:$0x8], $0x4000, $0x38;
	[tilespmem:$0x18C00] =	vst v63  }
0x174: {  	_ =	swait.ge [sflag:s10], $0x4000  }
0x175: {  	[sflag:s10] =	ssyncset.done $0x0  }
0x176: {  	[sflag:s10] =	ssyncadd.s32 $0xFFFFC000  }
0x177: {  	_ =	swait.ge [sflag:s11], $0x4000  }
0x178: {  	[sflag:s11] =	ssyncset.done $0x0  }
0x179: {  	[sflag:s11] =	ssyncadd.s32 $0xFFFFC000  }
0x17a: {  	_ =	swait.ge [sflag:s12], $0x4000  }
0x17b: {  	[sflag:s12] =	ssyncset.done $0x0  }
0x17c: {  	[sflag:s12] =	ssyncadd.s32 $0xFFFFC000  }
0x17d: {  	_ =	swait.ge [sflag:s14], $0x4000  }
0x17e: {  	[sflag:s14] =	ssyncset.done $0x0  }
0x17f: {  	p1 =	sne.s32 s1, $0x1;
	[sflag:s14] =	ssyncadd.s32 $0xFFFFC000  }
.Ltmp2:
0x180: {  	_ =	swait.ge [sflag:s5], $0x4000;
	(pc) =	sbr.rel @p1 .LBB2_4-.Ltmp2, $4  }
0x181: {  	[sflag:s5] =	ssyncset.done $0x0  }
0x182: {  	[sflag:s5] =	ssyncadd.s32 $0xFFFFC000  }
0x183: {  	_ =	swait.ge [sflag:s6], $0x4000  }
0x184: {  	s1 =	sadd.s32 $0xFFFFFFFF, s1;
	s0 =	rddreg [dreg:$0x4];
	[sflag:s6] =	ssyncset.done $0x0  }
0x185: {  	s24 =	simm.s32 $0x680  }
0x186: {  	s30 =	simm.s32 $0x700;
	s29 =	simm.s32 $0x780;
	s28 =	simm.s32 $0x800  }
0x187: {  	s26 =	simm.s32 $0x880;
	s25 =	simm.s32 $0x900;
	s23 =	stileid.u32  }
.LBB2_6:
0x188: {  	[sflag:s6] =	ssyncadd.s32 @p0 $0xFFFFC000  }
0x189: {  	[tilespmem:s2], [sflag:$0xD] =	stream.linear.gather [hbm4b:s0+s2], $0xA00, $0x38;
	[tilespmem:$0x18C00] =	vst v63  }
0x18a: {  	_ =	swait.ge [sflag:s31], $0xA00  }
0x18b: {  	[sflag:s31] =	ssyncset.done $0x0  }
0x18c: {  	[sflag:s31] =	ssyncadd.s32 $0xFFFFF600  }
0x18d: {  	[tilespmem:s7], [sflag:$0x1] =	stream.indirect.gather [hbm4b:s3+s17], $0x80, s2, s17, $0xb8;
	[tilespmem:$0x18C00] =	vst v63  }
0x18e: {  	_ = 	snop  }
0x18f: {  	[tilespmem:s4], [sflag:$0x2] =	stream.indirect.gather [hbm4b:s3+s17], $0x80, s17, s17, $0xb8;
	[tilespmem:$0x18C00] =	vst v63  }
0x190: {  	s31 =	rddreg [dreg:$0x19]  }
0x191: {  	[tilespmem:s18], [sflag:$0x3] =	stream.indirect.gather [hbm4b:s3+s17], $0x80, s31, s17, $0xb8;
	[tilespmem:$0x18C00] =	vst v63  }
0x192: {  	s1 =	rddreg [dreg:$0x1a]  }
0x193: {  	[tilespmem:s16], [sflag:$0x4] =	stream.indirect.gather [hbm4b:s3+s17], $0x80, s1, s17, $0xb8;
	[tilespmem:$0x18C00] =	vst v63  }
0x194: {  	s0 =	rddreg [dreg:$0x1b]  }
0x195: {  	[tilespmem:s15], [sflag:$0x5] =	stream.indirect.gather [hbm4b:s3+s17], $0x80, s0, s17, $0xb8;
	[tilespmem:$0x18C00] =	vst v63  }
0x196: {  	s31 =	rddreg [dreg:$0x1c]  }
0x197: {  	[tilespmem:s13], [sflag:$0x6] =	stream.indirect.gather [hbm4b:s3+s17], $0x80, s31, s17, $0xb8;
	[tilespmem:$0x18C00] =	vst v63  }
0x198: {  	_ =	swait.ge [sflag:s9], $0x4000  }
0x199: {  	[sflag:s9] =	ssyncset.done $0x0  }
0x19a: {  	s31 =	rddreg [dreg:$0x5];
	[sflag:s9] =	ssyncadd.s32 $0xFFFFC000  }
0x19b: {  	[hbm4b:s31+s2] =	stream.linear.scatter [tilespmem:s7], [sflag:$0x7], $0x4000, $0x38;
	[tilespmem:$0x18C00] =	vst v63  }
0x19c: {  	_ =	swait.ge [sflag:s5], $0x4000  }
0x19d: {  	[sflag:s5] =	ssyncset.done $0x0  }
0x19e: {  	s1 =	rddreg [dreg:$0x1d];
	[sflag:s5] =	ssyncadd.s32 $0xFFFFC000  }
0x19f: {  	[tilespmem:s7], [sflag:$0x1] =	stream.indirect.gather [hbm4b:s3+s17], $0x80, s1, s17, $0xb8;
	[tilespmem:$0x18C00] =	vst v63  }
0x1a0: {  	_ =	swait.ge [sflag:s8], $0x4000  }
0x1a1: {  	[sflag:s8] =	ssyncset.done $0x0  }
0x1a2: {  	s31 =	rddreg [dreg:$0x6];
	[sflag:s8] =	ssyncadd.s32 $0xFFFFC000  }
0x1a3: {  	[hbm4b:s31+s2] =	stream.linear.scatter [tilespmem:s4], [sflag:$0x8], $0x4000, $0x38;
	[tilespmem:$0x18C00] =	vst v63  }
0x1a4: {  	_ =	swait.ge [sflag:s6], $0x4000  }
0x1a5: {  	[sflag:s6] =	ssyncset.done $0x0  }
0x1a6: {  	s1 =	rddreg [dreg:$0x1e];
	[sflag:s6] =	ssyncadd.s32 $0xFFFFC000  }
0x1a7: {  	[tilespmem:s4], [sflag:$0x2] =	stream.indirect.gather [hbm4b:s3+s17], $0x80, s1, s17, $0xb8;
	[tilespmem:$0x18C00] =	vst v63  }
0x1a8: {  	_ =	swait.ge [sflag:s21], $0x4000  }
0x1a9: {  	[sflag:s21] =	ssyncset.done $0x0  }
0x1aa: {  	s31 =	rddreg [dreg:$0x7];
	[sflag:s21] =	ssyncadd.s32 $0xFFFFC000  }
0x1ab: {  	[hbm4b:s31+s2] =	stream.linear.scatter [tilespmem:s18], [sflag:$0x9], $0x4000, $0x38;
	[tilespmem:$0x18C00] =	vst v63  }
0x1ac: {  	_ =	swait.ge [sflag:s10], $0x4000  }
0x1ad: {  	[sflag:s10] =	ssyncset.done $0x0  }
0x1ae: {  	s1 =	rddreg [dreg:$0x1f];
	[sflag:s10] =	ssyncadd.s32 $0xFFFFC000  }
0x1af: {  	[tilespmem:s18], [sflag:$0x3] =	stream.indirect.gather [hbm4b:s3+s17], $0x80, s1, s17, $0xb8;
	[tilespmem:$0x18C00] =	vst v63  }
0x1b0: {  	_ =	swait.ge [sflag:s22], $0x4000  }
0x1b1: {  	[sflag:s22] =	ssyncset.done $0x0  }
0x1b2: {  	s31 =	rddreg [dreg:$0x8];
	[sflag:s22] =	ssyncadd.s32 $0xFFFFC000  }
0x1b3: {  	[hbm4b:s31+s2] =	stream.linear.scatter [tilespmem:s16], [sflag:$0xA], $0x4000, $0x38;
	[tilespmem:$0x18C00] =	vst v63  }
0x1b4: {  	_ =	swait.ge [sflag:s11], $0x4000  }
0x1b5: {  	s1 =	sld [smem:$0x7FA]  }
0x1b6: {  	[sflag:s11] =	ssyncset.done $0x0  }
0x1b7: {  	[sflag:s11] =	ssyncadd.s32 $0xFFFFC000  }
0x1b8: {  	[tilespmem:s16], [sflag:$0x4] =	stream.indirect.gather [hbm4b:s3+s17], $0x80, s1, s17, $0xb8;
	[tilespmem:$0x18C00] =	vst v63  }
0x1b9: {  	_ =	swait.ge [sflag:s20], $0x4000  }
0x1ba: {  	[sflag:s20] =	ssyncset.done $0x0  }
0x1bb: {  	s31 =	rddreg [dreg:$0x9];
	[sflag:s20] =	ssyncadd.s32 $0xFFFFC000  }
0x1bc: {  	[hbm4b:s31+s2] =	stream.linear.scatter [tilespmem:s15], [sflag:$0xB], $0x4000, $0x38;
	[tilespmem:$0x18C00] =	vst v63  }
0x1bd: {  	_ =	swait.ge [sflag:s12], $0x4000  }
0x1be: {  	s1 =	sld [smem:$0x7FB]  }
0x1bf: {  	[sflag:s12] =	ssyncset.done $0x0  }
0x1c0: {  	[sflag:s12] =	ssyncadd.s32 $0xFFFFC000  }
0x1c1: {  	[tilespmem:s15], [sflag:$0x5] =	stream.indirect.gather [hbm4b:s3+s17], $0x80, s1, s17, $0xb8;
	[tilespmem:$0x18C00] =	vst v63  }
0x1c2: {  	_ =	swait.ge [sflag:s19], $0x4000  }
0x1c3: {  	[sflag:s19] =	ssyncset.done $0x0  }
0x1c4: {  	s31 =	rddreg [dreg:$0xa];
	[sflag:s19] =	ssyncadd.s32 $0xFFFFC000  }
0x1c5: {  	[hbm4b:s31+s2] =	stream.linear.scatter [tilespmem:s13], [sflag:$0xC], $0x4000, $0x38;
	[tilespmem:$0x18C00] =	vst v63  }
0x1c6: {  	_ =	swait.ge [sflag:s14], $0x4000  }
0x1c7: {  	s1 =	sld [smem:$0x7FC]  }
0x1c8: {  	[sflag:s14] =	ssyncset.done $0x0  }
0x1c9: {  	[sflag:s14] =	ssyncadd.s32 $0xFFFFC000  }
0x1ca: {  	[tilespmem:s13], [sflag:$0x6] =	stream.indirect.gather [hbm4b:s3+s17], $0x80, s1, s17, $0xb8;
	[tilespmem:$0x18C00] =	vst v63  }
0x1cb: {  	_ =	swait.ge [sflag:s9], $0x4000  }
0x1cc: {  	[sflag:s9] =	ssyncset.done $0x0  }
0x1cd: {  	s31 =	rddreg [dreg:$0xb];
	[sflag:s9] =	ssyncadd.s32 $0xFFFFC000  }
0x1ce: {  	[hbm4b:s31+s2] =	stream.linear.scatter [tilespmem:s7], [sflag:$0x7], $0x4000, $0x38;
	[tilespmem:$0x18C00] =	vst v63  }
0x1cf: {  	_ =	swait.ge [sflag:s5], $0x4000  }
0x1d0: {  	s1 =	sld [smem:$0x7FD]  }
0x1d1: {  	[sflag:s5] =	ssyncset.done $0x0  }
0x1d2: {  	[sflag:s5] =	ssyncadd.s32 $0xFFFFC000  }
0x1d3: {  	[tilespmem:s7], [sflag:$0x1] =	stream.indirect.gather [hbm4b:s3+s17], $0x80, s1, s17, $0xb8;
	[tilespmem:$0x18C00] =	vst v63  }
0x1d4: {  	_ =	swait.ge [sflag:s8], $0x4000  }
0x1d5: {  	[sflag:s8] =	ssyncset.done $0x0  }
0x1d6: {  	s31 =	rddreg [dreg:$0xc];
	[sflag:s8] =	ssyncadd.s32 $0xFFFFC000  }
0x1d7: {  	[hbm4b:s31+s2] =	stream.linear.scatter [tilespmem:s4], [sflag:$0x8], $0x4000, $0x38;
	[tilespmem:$0x18C00] =	vst v63  }
0x1d8: {  	_ =	swait.ge [sflag:s6], $0x4000  }
0x1d9: {  	[sflag:s6] =	ssyncset.done $0x0  }
0x1da: {  	[sflag:s6] =	ssyncadd.s32 $0xFFFFC000  }
0x1db: {  	[tilespmem:s4], [sflag:$0x2] =	stream.indirect.gather [hbm4b:s3+s17], $0x80, s24, s17, $0xb8;
	[tilespmem:$0x18C00] =	vst v63  }
0x1dc: {  	_ =	swait.ge [sflag:s21], $0x4000  }
0x1dd: {  	[sflag:s21] =	ssyncset.done $0x0  }
0x1de: {  	s1 =	rddreg [dreg:$0xd];
	[sflag:s21] =	ssyncadd.s32 $0xFFFFC000  }
0x1df: {  	[hbm4b:s1+s2] =	stream.linear.scatter [tilespmem:s18], [sflag:$0x9], $0x4000, $0x38;
	[tilespmem:$0x18C00] =	vst v63  }
0x1e0: {  	_ =	swait.ge [sflag:s10], $0x4000  }
0x1e1: {  	[sflag:s10] =	ssyncset.done $0x0  }
0x1e2: {  	[sflag:s10] =	ssyncadd.s32 $0xFFFFC000  }
0x1e3: {  	[tilespmem:s18], [sflag:$0x3] =	stream.indirect.gather [hbm4b:s3+s17], $0x80, s30, s17, $0xb8;
	[tilespmem:$0x18C00] =	vst v63  }
0x1e4: {  	_ =	swait.ge [sflag:s22], $0x4000  }
0x1e5: {  	[sflag:s22] =	ssyncset.done $0x0  }
0x1e6: {  	s24 =	rddreg [dreg:$0xe];
	[sflag:s22] =	ssyncadd.s32 $0xFFFFC000  }
0x1e7: {  	[hbm4b:s24+s2] =	stream.linear.scatter [tilespmem:s16], [sflag:$0xA], $0x4000, $0x38;
	[tilespmem:$0x18C00] =	vst v63  }
0x1e8: {  	_ =	swait.ge [sflag:s11], $0x4000  }
0x1e9: {  	[sflag:s11] =	ssyncset.done $0x0  }
0x1ea: {  	[sflag:s11] =	ssyncadd.s32 $0xFFFFC000  }
0x1eb: {  	[tilespmem:s16], [sflag:$0x4] =	stream.indirect.gather [hbm4b:s3+s17], $0x80, s29, s17, $0xb8;
	[tilespmem:$0x18C00] =	vst v63  }
0x1ec: {  	_ =	swait.ge [sflag:s20], $0x4000  }
0x1ed: {  	[sflag:s20] =	ssyncset.done $0x0  }
0x1ee: {  	s29 =	rddreg [dreg:$0xf];
	[sflag:s20] =	ssyncadd.s32 $0xFFFFC000  }
0x1ef: {  	[hbm4b:s29+s2] =	stream.linear.scatter [tilespmem:s15], [sflag:$0xB], $0x4000, $0x38;
	[tilespmem:$0x18C00] =	vst v63  }
0x1f0: {  	_ =	swait.ge [sflag:s12], $0x4000  }
0x1f1: {  	[sflag:s12] =	ssyncset.done $0x0  }
0x1f2: {  	[sflag:s12] =	ssyncadd.s32 $0xFFFFC000  }
0x1f3: {  	[tilespmem:s15], [sflag:$0x5] =	stream.indirect.gather [hbm4b:s3+s17], $0x80, s28, s17, $0xb8;
	[tilespmem:$0x18C00] =	vst v63  }
0x1f4: {  	_ =	swait.ge [sflag:s19], $0x4000  }
0x1f5: {  	[sflag:s19] =	ssyncset.done $0x0  }
0x1f6: {  	s30 =	rddreg [dreg:$0x10];
	[sflag:s19] =	ssyncadd.s32 $0xFFFFC000  }
0x1f7: {  	[hbm4b:s30+s2] =	stream.linear.scatter [tilespmem:s13], [sflag:$0xC], $0x4000, $0x38;
	[tilespmem:$0x18C00] =	vst v63  }
0x1f8: {  	_ =	swait.ge [sflag:s14], $0x4000  }
0x1f9: {  	[sflag:s14] =	ssyncset.done $0x0  }
0x1fa: {  	[sflag:s14] =	ssyncadd.s32 $0xFFFFC000  }
0x1fb: {  	[tilespmem:s13], [sflag:$0x6] =	stream.indirect.gather [hbm4b:s3+s17], $0x80, s26, s17, $0xb8;
	[tilespmem:$0x18C00] =	vst v63  }
0x1fc: {  	_ =	swait.ge [sflag:s9], $0x4000  }
0x1fd: {  	[sflag:s9] =	ssyncset.done $0x0  }
0x1fe: {  	s31 =	rddreg [dreg:$0x11];
	[sflag:s9] =	ssyncadd.s32 $0xFFFFC000  }
0x1ff: {  	[hbm4b:s31+s2] =	stream.linear.scatter [tilespmem:s7], [sflag:$0x7], $0x4000, $0x38;
	[tilespmem:$0x18C00] =	vst v63  }
0x200: {  	_ =	swait.ge [sflag:s5], $0x4000  }
0x201: {  	[sflag:s5] =	ssyncset.done $0x0  }
0x202: {  	[sflag:s5] =	ssyncadd.s32 $0xFFFFC000  }
0x203: {  	[tilespmem:s7], [sflag:$0x1] =	stream.indirect.gather [hbm4b:s3+s17], $0x80, s25, s17, $0xb8;
	[tilespmem:$0x18C00] =	vst v63  }
0x204: {  	_ =	swait.ge [sflag:s8], $0x4000  }
0x205: {  	[sflag:s8] =	ssyncset.done $0x0  }
0x206: {  	s1 =	rddreg [dreg:$0x12];
	[sflag:s8] =	ssyncadd.s32 $0xFFFFC000  }
0x207: {  	[hbm4b:s1+s2] =	stream.linear.scatter [tilespmem:s4], [sflag:$0x8], $0x4000, $0x38;
	[tilespmem:$0x18C00] =	vst v63  }
0x208: {  	_ =	swait.ge [sflag:s6], $0x4000  }
0x209: {  	[sflag:s6] =	ssyncset.done $0x0  }
0x20a: {  	s24 =	simm.s32 $0x980;
	[sflag:s6] =	ssyncadd.s32 $0xFFFFC000  }
0x20b: {  	[tilespmem:s4], [sflag:$0x2] =	stream.indirect.gather [hbm4b:s3+s17], $0x80, s24, s17, $0xb8;
	[tilespmem:$0x18C00] =	vst v63  }
0x20c: {  	_ =	swait.ge [sflag:s21], $0x4000  }
0x20d: {  	[sflag:s21] =	ssyncset.done $0x0  }
0x20e: {  	s25 =	rddreg [dreg:$0x13];
	[sflag:s21] =	ssyncadd.s32 $0xFFFFC000  }
0x20f: {  	[hbm4b:s25+s2] =	stream.linear.scatter [tilespmem:s18], [sflag:$0x9], $0x4000, $0x38;
	[tilespmem:$0x18C00] =	vst v63  }
0x210: {  	_ =	swait.ge [sflag:s22], $0x4000  }
0x211: {  	[sflag:s22] =	ssyncset.done $0x0  }
0x212: {  	s26 =	rddreg [dreg:$0x14];
	[sflag:s22] =	ssyncadd.s32 $0xFFFFC000  }
0x213: {  	[hbm4b:s26+s2] =	stream.linear.scatter [tilespmem:s16], [sflag:$0xA], $0x4000, $0x38;
	[tilespmem:$0x18C00] =	vst v63  }
0x214: {  	_ =	swait.ge [sflag:s20], $0x4000  }
0x215: {  	[sflag:s20] =	ssyncset.done $0x0  }
0x216: {  	s28 =	rddreg [dreg:$0x15];
	[sflag:s20] =	ssyncadd.s32 $0xFFFFC000  }
0x217: {  	[hbm4b:s28+s2] =	stream.linear.scatter [tilespmem:s15], [sflag:$0xB], $0x4000, $0x38;
	[tilespmem:$0x18C00] =	vst v63  }
0x218: {  	_ =	swait.ge [sflag:s19], $0x4000  }
0x219: {  	[sflag:s19] =	ssyncset.done $0x0  }
0x21a: {  	s29 =	rddreg [dreg:$0x16];
	[sflag:s19] =	ssyncadd.s32 $0xFFFFC000  }
0x21b: {  	[hbm4b:s29+s2] =	stream.linear.scatter [tilespmem:s13], [sflag:$0xC], $0x4000, $0x38;
	[tilespmem:$0x18C00] =	vst v63  }
0x21c: {  	_ =	swait.ge [sflag:s9], $0x4000  }
0x21d: {  	[sflag:s9] =	ssyncset.done $0x0  }
0x21e: {  	s30 =	rddreg [dreg:$0x17];
	[sflag:s9] =	ssyncadd.s32 $0xFFFFC000  }
0x21f: {  	[hbm4b:s30+s2] =	stream.linear.scatter [tilespmem:s7], [sflag:$0x7], $0x4000, $0x38;
	[tilespmem:$0x18C00] =	vst v63  }
0x220: {  	_ =	swait.ge [sflag:s8], $0x4000  }
0x221: {  	[sflag:s8] =	ssyncset.done $0x0  }
0x222: {  	s31 =	rddreg [dreg:$0x18];
	[sflag:s8] =	ssyncadd.s32 $0xFFFFC000  }
0x223: {  	[hbm4b:s31+s2] =	stream.linear.scatter [tilespmem:s4], [sflag:$0x8], $0x4000, $0x38;
	[tilespmem:$0x18C00] =	vst v63  }
0x224: {  	_ =	swait.ge [sflag:s10], $0x4000  }
0x225: {  	[sflag:s10] =	ssyncset.done $0x0  }
0x226: {  	[sflag:s10] =	ssyncadd.s32 $0xFFFFC000  }
0x227: {  	_ =	swait.ge [sflag:s11], $0x4000  }
0x228: {  	[sflag:s11] =	ssyncset.done $0x0  }
0x229: {  	[sflag:s11] =	ssyncadd.s32 $0xFFFFC000  }
0x22a: {  	_ =	swait.ge [sflag:s12], $0x4000  }
0x22b: {  	[sflag:s12] =	ssyncset.done $0x0  }
0x22c: {  	[sflag:s12] =	ssyncadd.s32 $0xFFFFC000  }
0x22d: {  	_ =	swait.ge [sflag:s14], $0x4000  }
0x22e: {  	[sflag:s14] =	ssyncset.done $0x0  }
0x22f: {  	[sflag:s14] =	ssyncadd.s32 $0xFFFFC000  }
0x230: {  	_ =	swait.ge [sflag:s5], $0x4000  }
0x231: {  	[sflag:s5] =	ssyncset.done $0x0  }
0x232: {  	[sflag:s5] =	ssyncadd.s32 $0xFFFFC000  }
0x233: {  	_ =	swait.ge [sflag:s6], $0x4000  }
0x234: {  	[sflag:s6] =	ssyncset.done $0x0  }
0x235: {  	[sflag:s6] =	ssyncadd.s32 $0xFFFFC000  }
0x236: {  	_ =	sfence.sel $0x180000  }
0x237: {  	[bflag:$0x0] =	sbarrier.arrive $0xFFFF  }
0x238: {  	_ =	strace $0x90000047  }
0x239: {  	[bflag:$0x2] =	sbarrier.arrive $0xFFFF  }
0x23a: {  	p0 =	sne.s32 s23, $0x0;
	s0 =	rddreg [dreg:$0x3]  }
0x23b: {  	s0 =	sadd.s32 @!p0 $0x100000, s0  }
0x23c: {  	[sflag:s0] =	ssyncadd.tile.s32 @!p0 $0x1;
	_ =	shalt  }
.LBB2_1:
.Ltmp3:
0x23d: {  	(pc) =	sbr.rel .LBB2_6-.Ltmp3, $3  }
0x23e: {  	_ =	sdelay $0x1  }
0x23f: {  	s24 =	simm.s32 $0x680;
	s30 =	simm.s32 $0x700;
	s29 =	simm.s32 $0x780  }
0x240: {  	s28 =	simm.s32 $0x800;
	s26 =	simm.s32 $0x880;
	s25 =	simm.s32 $0x900  }
.LBB2_3:
.Ltmp4:
0x241: {  	(pc) =	sbr.rel .LBB2_6-.Ltmp4, $4  }
0x242: {  	_ = 	snop  }
0x243: {  	s24 =	simm.s32 $0x680  }
0x244: {  	s30 =	simm.s32 $0x700;
	s29 =	simm.s32 $0x780;
	s28 =	simm.s32 $0x800  }
0x245: {  	s26 =	simm.s32 $0x880;
	s25 =	simm.s32 $0x900;
	s23 =	stileid.u32  }
.Lfunc_end2:
_tile_overlayer_lowered:
.L_overlay_start_2:
0x246: {  	(tag) =	ssettag $0x2  }
0x247: {  	s0 =	rddreg [dreg:$0x0];
	s2 =	stileid.u32  }
0x248: {  	s1 =	rddreg [dreg:$0x1];
	p0 =	sne.s32 s2, $0x0  }
0x249: {  	s3 =	rddreg [dreg:$0x2];
	[bflag:$0x3] =	sbarrier.arrive $0xFFFF;
	s2 =	simm.s32 @!p0 $0x1C0D  }
0x24a: {  	[timem:s3], [sflag:s2] =	dma.local @!p0 [hbm:s0], s1  }
0x24b: {  	s0 =	simm.s32 @!p0 $0xD  }
0x24c: {  	_ =	swait.ge @!p0 [sflag:s0], s1  }
0x24d: {  	s1 =	ssub.s32 @!p0 $0x0, s1;
	[sflag:s0] =	ssyncset.done @!p0 $0x0  }
0x24e: {  	[sflag:s0] =	ssyncadd.s32 @!p0 s1  }
0x24f: {  	[bflag:$0x3] =	sbarrier.arrive $0xFFFF  }
0x250: {  	_ =	shalt  }

</sc_bundles>
